<compile_context>
chip_gen: v7x
topology: tpu7x:2x2x1
jax: 0.10.2.dev20260603
libtpu: 0.0.44.dev20260713+nightly
codegen_flags: <defaults>
</compile_context>

<pallas_src>
import functools

import jax
import jax.numpy as jnp
from jax import lax
from jax.experimental import pallas as pl
from jax.experimental.pallas import tpu as pltpu
from jax.experimental.pallas import tpu_sc as plsc

NC = 2
NS = 16
NW = NC * NS



def _make_deg_kernel(n, ch, b):
    mesh = plsc.VectorSubcoreMesh(core_axis_name="c", subcore_axis_name="s")
    rows_per_sub = n // NS
    f = 16

    @functools.partial(
        pl.kernel,
        out_type=jax.ShapeDtypeStruct((NC, n, f), jnp.float32),
        mesh=mesh,
        scratch_types=[
            pltpu.VMEM((ch, b), jnp.int32),
            pltpu.VMEM((b, f), jnp.float32),
            pltpu.VMEM_SHARED((n, f), jnp.float32),
        ],
        compiler_params=pltpu.CompilerParams(use_tc_tiling_on_sc=False),
    )
    def deg_kernel(dst_hbm, zeros_hbm, ones_hbm, out_hbm, idx_d, ones_v, acc):
        c = lax.axis_index("c")
        s = lax.axis_index("s")
        w = s * NC + c
        pltpu.sync_copy(ones_hbm, ones_v)
        pltpu.sync_copy(zeros_hbm.at[pl.ds(s * rows_per_sub, rows_per_sub)],
                        acc.at[pl.ds(s * rows_per_sub, rows_per_sub)])
        plsc.subcore_barrier()
        pltpu.sync_copy(dst_hbm.at[w], idx_d)

        @pl.loop(0, ch)
        def _(j):
            pltpu.sync_copy(ones_v, acc.at[idx_d.at[j]], add=True)

        plsc.subcore_barrier()
        pltpu.sync_copy(acc.at[pl.ds(s * rows_per_sub, rows_per_sub)],
                        out_hbm.at[c, pl.ds(s * rows_per_sub, rows_per_sub)])

    return deg_kernel


def _make_segsum_kernel(n, f, ch, b, nb=5):
    mesh = plsc.VectorSubcoreMesh(core_axis_name="c", subcore_axis_name="s")
    rows_per_sub = n // NS
    grps = ch // nb

    @functools.partial(
        pl.kernel,
        out_type=jax.ShapeDtypeStruct((NC, n, f), jnp.float32),
        mesh=mesh,
        scratch_types=[
            pltpu.VMEM((ch, b), jnp.int32),
            pltpu.VMEM((ch, b), jnp.int32),
            pltpu.VMEM((nb, b, f), jnp.float32),
            pltpu.VMEM_SHARED((n, f), jnp.float32),
            pltpu.VMEM_SHARED((n, f), jnp.float32),
            pltpu.SemaphoreType.DMA,
            pltpu.SemaphoreType.DMA,
        ],
        compiler_params=pltpu.CompilerParams(use_tc_tiling_on_sc=False),
    )
    def seg_kernel(src_hbm, dst_hbm, table_hbm, zeros_hbm, out_hbm,
                   idx_s, idx_d, rows, acc, stab, gsem, ssem):
        c = lax.axis_index("c")
        s = lax.axis_index("s")
        w = s * NC + c
        pltpu.sync_copy(zeros_hbm.at[pl.ds(s * rows_per_sub, rows_per_sub)],
                        acc.at[pl.ds(s * rows_per_sub, rows_per_sub)])
        pltpu.sync_copy(table_hbm.at[pl.ds(s * rows_per_sub, rows_per_sub)],
                        stab.at[pl.ds(s * rows_per_sub, rows_per_sub)])
        plsc.subcore_barrier()
        pltpu.sync_copy(src_hbm.at[w], idx_s)
        pltpu.sync_copy(dst_hbm.at[w], idx_d)

        for slot in range(nb):
            pltpu.async_copy(stab.at[idx_s.at[slot]], rows.at[slot], gsem)

        @pl.loop(0, grps)
        def _(g):
            for slot in range(nb):
                j = g * nb + slot
                pltpu.make_async_copy(
                    stab.at[idx_s.at[j]], rows.at[slot], gsem).wait()
                sd = pltpu.async_copy(
                    rows.at[slot], acc.at[idx_d.at[j]], ssem, add=True)
                sd.wait()

                @pl.when(g < grps - 1)
                def _():
                    pltpu.async_copy(
                        stab.at[idx_s.at[j + nb]], rows.at[slot], gsem)

        plsc.subcore_barrier()
        pltpu.sync_copy(acc.at[pl.ds(s * rows_per_sub, rows_per_sub)],
                        out_hbm.at[c, pl.ds(s * rows_per_sub, rows_per_sub)])

    return seg_kernel



def _make_scale1_body(n, npad, f):
    def body(x_ref, w1_ref, degp_ref, g1_ref, dis_ref):
        deg = degp_ref[0, :n, 0:1] + degp_ref[1, :n, 0:1] + 1.0
        dis_col = lax.rsqrt(deg)
        h1 = jnp.dot(x_ref[...], w1_ref[...],
                     preferred_element_type=jnp.float32)
        g1_ref[:n, :] = dis_col * h1
        g1_ref[n:, :] = jnp.zeros((npad - n, f), jnp.float32)
        dis_ref[...] = dis_col
    return body


def _make_layer2_body(n, npad, f, h, cdim):
    def body(s1p_ref, g1_ref, dis_ref, b1_ref, w2_ref, g2_ref):
        hmat = jnp.maximum(
            dis_ref[...] * (s1p_ref[0, :n, :] + s1p_ref[1, :n, :]
                            + g1_ref[:n, :]) + b1_ref[...], 0.0)
        prod = jnp.dot(hmat[:, :h], w2_ref[...],
                       preferred_element_type=jnp.float32)
        g2_ref[:n, :] = dis_ref[...] * jnp.concatenate(
            [prod, jnp.zeros((n, f - cdim), jnp.float32)], axis=1)
        g2_ref[n:, :] = jnp.zeros((npad - n, f), jnp.float32)
    return body


def _make_final_body(n, f, cdim):
    def body(s2p_ref, g2_ref, dis_ref, b2_ref, out_ref):
        out_ref[...] = (dis_ref[...]
                        * (s2p_ref[0, :n, :cdim] + s2p_ref[1, :n, :cdim]
                           + g2_ref[:n, :cdim]) + b2_ref[...])
    return body



@jax.jit
def kernel(x, edge_index, W1, b1, W2, b2):
    n, d = x.shape
    h = W1.shape[1]
    cdim = W2.shape[1]
    e = edge_index.shape[1]
    f = 16

    npad = ((n + NS * 8 - 1) // (NS * 8)) * NS * 8
    b_chunk = 80
    nb = 5
    per_w = e // NW
    ch = (per_w + b_chunk - 1) // b_chunk
    ch = ((ch + nb - 1) // nb) * nb
    pw_pad = ch * b_chunk

    src_pw = edge_index[0].reshape(NW, per_w)
    dst_pw = edge_index[1].reshape(NW, per_w)
    pad = pw_pad - per_w
    if pad:
        src_pw = jnp.pad(src_pw, ((0, 0), (0, pad)))
        dst_pw = jnp.pad(dst_pw, ((0, 0), (0, pad)), constant_values=n)
    src3 = src_pw.reshape(NW, ch, b_chunk)
    dst3 = dst_pw.reshape(NW, ch, b_chunk)

    ones_b = jnp.ones((b_chunk, f), jnp.float32)
    zeros_nf = jnp.zeros((npad, f), jnp.float32)

    deg_p3 = _make_deg_kernel(npad, ch, b_chunk)(dst3, zeros_nf, ones_b)

    g1, dis = pl.pallas_call(
        _make_scale1_body(n, npad, f),
        out_shape=(jax.ShapeDtypeStruct((npad, f), jnp.float32),
                   jax.ShapeDtypeStruct((n, 1), jnp.float32)),
    )(x, W1, deg_p3)

    s1_pp = _make_segsum_kernel(npad, f, ch, b_chunk)(src3, dst3, g1, zeros_nf)

    g2 = pl.pallas_call(
        _make_layer2_body(n, npad, f, h, cdim),
        out_shape=jax.ShapeDtypeStruct((npad, f), jnp.float32),
    )(s1_pp, g1, dis, b1.reshape(1, h), W2)

    s2_pp = _make_segsum_kernel(npad, f, ch, b_chunk)(src3, dst3, g2, zeros_nf)

    out = pl.pallas_call(
        _make_final_body(n, f, cdim),
        out_shape=jax.ShapeDtypeStruct((n, cdim), jnp.float32),
    )(s2_pp, g2, dis, b2.reshape(1, cdim))

    return out

# --- scband reference (transcript-rebuilt; emitter-appended) ---
"""Pipeline reference for scband-gcn-34033320853729 (READ-ONLY COPY).

The authoritative reference and input builder live on the scoring server;
editing this copy changes nothing except your own understanding.
"""

import jax, jax.numpy as jnp
import numpy as np

N = 10000
E = 320000
D = 128
H = 16
C = 10


def setup_inputs(seed: int = 0) -> dict:
    key = jax.random.key(seed)
    k1, k2, k3, k4 = jax.random.split(key, 4)
    x = jax.random.normal(k1, (N, D), dtype=jnp.float32)
    edge_index = jax.random.randint(k2, (2, E), 0, N, dtype=jnp.int32)
    # GCNConv layer 1 params (glorot-style init, zero bias like PyG defaults)
    W1 = jax.random.normal(k3, (D, H), dtype=jnp.float32) * (1.0 / np.sqrt(D))
    b1 = jnp.zeros((H,), dtype=jnp.float32)
    # GCNConv layer 2 params
    W2 = jax.random.normal(k4, (H, C), dtype=jnp.float32) * (1.0 / np.sqrt(H))
    b2 = jnp.zeros((C,), dtype=jnp.float32)
    return {"x": x, "edge_index": edge_index, "W1": W1, "b1": b1, "W2": W2, "b2": b2}


def _gcn_layer(x, W, b, src, dst, n):
    # PyG GCNConv: h = x @ W; symmetric normalization with self-loops (appended by caller);
    # out[dst] += norm * h[src]; out += bias
    h = x @ W
    deg = jnp.zeros((n,), dtype=x.dtype).at[dst].add(jnp.ones_like(dst, dtype=x.dtype))
    deg_inv_sqrt = jnp.where(deg > 0, 1.0 / jnp.sqrt(jnp.maximum(deg, 1e-12)), 0.0)
    norm = deg_inv_sqrt[src] * deg_inv_sqrt[dst]
    msg = h[src] * norm[:, None]
    out = jnp.zeros((n, W.shape[1]), dtype=x.dtype).at[dst].add(msg)
    return out + b


def reference(x, edge_index, W1, b1, W2, b2):
    n = x.shape[0]
    loop = jnp.arange(n, dtype=edge_index.dtype)
    src = jnp.concatenate([edge_index[0], loop])
    dst = jnp.concatenate([edge_index[1], loop])
    h = jax.nn.relu(_gcn_layer(x, W1, b1, src, dst, n))
    out = _gcn_layer(h, W2, b2, src, dst, n)
    return out

if __name__ == "__main__":
    import jax
    _d = setup_inputs()
    print(jax.jit(kernel)(*tuple(_d.values())))

</pallas_src>

<mosaic_0001>
#map = affine_map<(d0, d1) -> (0, 0, 0)>
#map1 = affine_map<(d0, d1) -> (0, 0)>
module attributes {stable_mosaic.version = 14 : i64} {
  func.func @seg_kernel(%arg0: i32, %arg1: i32, %arg2: memref<32x125x80xi32, #tpu.memory_space<hbm>>, %arg3: memref<32x125x80xi32, #tpu.memory_space<hbm>>, %arg4: memref<10112x16xf32, #tpu.memory_space<hbm>>, %arg5: memref<10112x16xf32, #tpu.memory_space<hbm>>, %arg6: memref<2x10112x16xf32, #tpu.memory_space<hbm>>, %arg7: memref<125x80xi32, #tpu.memory_space<vmem>>, %arg8: memref<125x80xi32, #tpu.memory_space<vmem>>, %arg9: memref<5x80x16xf32, #tpu.memory_space<vmem>>, %arg10: memref<10112x16xf32, #tpu.memory_space<vmem_shared>>, %arg11: memref<10112x16xf32, #tpu.memory_space<vmem_shared>>, %arg12: memref<!tpu.dma_semaphore, #tpu.memory_space<semaphore_mem>>, %arg13: memref<!tpu.dma_semaphore, #tpu.memory_space<semaphore_mem>>) attributes {dimension_semantics = [#tpu.dimension_semantics<core_parallel>, #tpu.dimension_semantics<subcore_parallel>], iteration_bounds = array<i64: 2, 16>, scalar_prefetch = 0 : i64, scratch_operands = 7 : i64, tpu.core_type = #tpu.core_type<sc_vector_subcore>, window_params = [{transform_indices = #map}, {transform_indices = #map}, {transform_indices = #map1}, {transform_indices = #map1}, {transform_indices = #map}]} {
    %mul3A = arith.constant 2 : i32
    %mul3A_0 = arith.muli %arg1, %mul3A : i32
    %add3A = arith.addi %mul3A_0, %arg0 : i32
    %mul3A_1 = arith.constant 632 : i32
    %mul3A_2 = arith.muli %arg1, %mul3A_1 : i32
    %mul3A_3 = arith.constant 632 : i32
    %mul3A_4 = arith.muli %arg1, %mul3A_3 : i32
    "tpu.region"() ({
      %run_scoped3A = tpu.sem_alloc : memref<!tpu.dma_semaphore, #tpu.memory_space<semaphore_mem>>
      %dma_start3A_77 = arith.constant 0 : i32
      %dma_start3A_78 = tpu.memref_slice %arg10[%mul3A_4, %dma_start3A_77] : memref<10112x16xf32, #tpu.memory_space<vmem_shared>> -> memref<632x16xf32, #tpu.memory_space<vmem_shared>>
      %dma_start3A_79 = arith.constant 0 : i32
      %dma_start3A_80 = tpu.memref_slice %arg5[%mul3A_2, %dma_start3A_79] : memref<10112x16xf32, #tpu.memory_space<hbm>> -> memref<632x16xf32, #tpu.memory_space<hbm>>
      tpu.enqueue_dma source(%dma_start3A_80 : memref<632x16xf32, #tpu.memory_space<hbm>>) target(%dma_start3A_78 : memref<632x16xf32, #tpu.memory_space<vmem_shared>>) target_semaphore(%run_scoped3A : memref<!tpu.dma_semaphore, #tpu.memory_space<semaphore_mem>>)
      %dma_wait3A = arith.constant 0 : i32
      %dma_wait3A_81 = tpu.memref_slice %arg10[%mul3A_4, %dma_wait3A] : memref<10112x16xf32, #tpu.memory_space<vmem_shared>> -> memref<632x16xf32, #tpu.memory_space<vmem_shared>>
      %dma_wait3A_82 = arith.constant 0 : i32
      %dma_wait3A_83 = tpu.memref_slice %arg5[%mul3A_2, %dma_wait3A_82] : memref<10112x16xf32, #tpu.memory_space<hbm>> -> memref<632x16xf32, #tpu.memory_space<hbm>>
      tpu.wait_dma2 semaphore(%run_scoped3A : memref<!tpu.dma_semaphore, #tpu.memory_space<semaphore_mem>>) src(%dma_wait3A_83 : memref<632x16xf32, #tpu.memory_space<hbm>>) dst(%dma_wait3A_81 : memref<632x16xf32, #tpu.memory_space<vmem_shared>>)
      tpu.yield
    }) : () -> ()
    %mul3A_5 = arith.constant 632 : i32
    %mul3A_6 = arith.muli %arg1, %mul3A_5 : i32
    %mul3A_7 = arith.constant 632 : i32
    %mul3A_8 = arith.muli %arg1, %mul3A_7 : i32
    "tpu.region"() ({
      %run_scoped3A = tpu.sem_alloc : memref<!tpu.dma_semaphore, #tpu.memory_space<semaphore_mem>>
      %dma_start3A_77 = arith.constant 0 : i32
      %dma_start3A_78 = tpu.memref_slice %arg11[%mul3A_8, %dma_start3A_77] : memref<10112x16xf32, #tpu.memory_space<vmem_shared>> -> memref<632x16xf32, #tpu.memory_space<vmem_shared>>
      %dma_start3A_79 = arith.constant 0 : i32
      %dma_start3A_80 = tpu.memref_slice %arg4[%mul3A_6, %dma_start3A_79] : memref<10112x16xf32, #tpu.memory_space<hbm>> -> memref<632x16xf32, #tpu.memory_space<hbm>>
      tpu.enqueue_dma source(%dma_start3A_80 : memref<632x16xf32, #tpu.memory_space<hbm>>) target(%dma_start3A_78 : memref<632x16xf32, #tpu.memory_space<vmem_shared>>) target_semaphore(%run_scoped3A : memref<!tpu.dma_semaphore, #tpu.memory_space<semaphore_mem>>)
      %dma_wait3A = arith.constant 0 : i32
      %dma_wait3A_81 = tpu.memref_slice %arg11[%mul3A_8, %dma_wait3A] : memref<10112x16xf32, #tpu.memory_space<vmem_shared>> -> memref<632x16xf32, #tpu.memory_space<vmem_shared>>
      %dma_wait3A_82 = arith.constant 0 : i32
      %dma_wait3A_83 = tpu.memref_slice %arg4[%mul3A_6, %dma_wait3A_82] : memref<10112x16xf32, #tpu.memory_space<hbm>> -> memref<632x16xf32, #tpu.memory_space<hbm>>
      tpu.wait_dma2 semaphore(%run_scoped3A : memref<!tpu.dma_semaphore, #tpu.memory_space<semaphore_mem>>) src(%dma_wait3A_83 : memref<632x16xf32, #tpu.memory_space<hbm>>) dst(%dma_wait3A_81 : memref<632x16xf32, #tpu.memory_space<vmem_shared>>)
      tpu.yield
    }) : () -> ()
    %barrier3A = arith.constant 0 : index
    tpu.barrier barrier_id(%barrier3A)
    "tpu.region"() ({
      %run_scoped3A = tpu.sem_alloc : memref<!tpu.dma_semaphore, #tpu.memory_space<semaphore_mem>>
      %dma_start3A_77 = arith.constant 0 : i32
      %dma_start3A_78 = arith.constant 0 : i32
      %dma_start3A_79 = tpu.memref_slice %arg2[%add3A, %dma_start3A_77, %dma_start3A_78] : memref<32x125x80xi32, #tpu.memory_space<hbm>> -> memref<1x125x80xi32, #tpu.memory_space<hbm>>
      %dma_start3A_80 = tpu.memref_squeeze %dma_start3A_79 : memref<1x125x80xi32, #tpu.memory_space<hbm>> -> memref<125x80xi32, #tpu.memory_space<hbm>>
      %dma_start3A_81 = arith.constant 0 : i32
      %dma_start3A_82 = arith.constant 0 : i32
      %dma_start3A_83 = tpu.memref_slice %arg2[%add3A, %dma_start3A_81, %dma_start3A_82] : memref<32x125x80xi32, #tpu.memory_space<hbm>> -> memref<1x125x80xi32, #tpu.memory_space<hbm>>
      %dma_start3A_84 = tpu.memref_squeeze %dma_start3A_83 : memref<1x125x80xi32, #tpu.memory_space<hbm>> -> memref<125x80xi32, #tpu.memory_space<hbm>>
      tpu.enqueue_dma source(%dma_start3A_84 : memref<125x80xi32, #tpu.memory_space<hbm>>) target(%arg7 : memref<125x80xi32, #tpu.memory_space<vmem>>) target_semaphore(%run_scoped3A : memref<!tpu.dma_semaphore, #tpu.memory_space<semaphore_mem>>)
      %dma_wait3A = arith.constant 0 : i32
      %dma_wait3A_85 = arith.constant 0 : i32
      %dma_wait3A_86 = tpu.memref_slice %arg2[%add3A, %dma_wait3A, %dma_wait3A_85] : memref<32x125x80xi32, #tpu.memory_space<hbm>> -> memref<1x125x80xi32, #tpu.memory_space<hbm>>
      %dma_wait3A_87 = tpu.memref_squeeze %dma_wait3A_86 : memref<1x125x80xi32, #tpu.memory_space<hbm>> -> memref<125x80xi32, #tpu.memory_space<hbm>>
      %dma_wait3A_88 = arith.constant 0 : i32
      %dma_wait3A_89 = arith.constant 0 : i32
      %dma_wait3A_90 = tpu.memref_slice %arg2[%add3A, %dma_wait3A_88, %dma_wait3A_89] : memref<32x125x80xi32, #tpu.memory_space<hbm>> -> memref<1x125x80xi32, #tpu.memory_space<hbm>>
      %dma_wait3A_91 = tpu.memref_squeeze %dma_wait3A_90 : memref<1x125x80xi32, #tpu.memory_space<hbm>> -> memref<125x80xi32, #tpu.memory_space<hbm>>
      tpu.wait_dma2 semaphore(%run_scoped3A : memref<!tpu.dma_semaphore, #tpu.memory_space<semaphore_mem>>) src(%dma_wait3A_91 : memref<125x80xi32, #tpu.memory_space<hbm>>) dst(%arg7 : memref<125x80xi32, #tpu.memory_space<vmem>>)
      tpu.yield
    }) : () -> ()
    "tpu.region"() ({
      %run_scoped3A = tpu.sem_alloc : memref<!tpu.dma_semaphore, #tpu.memory_space<semaphore_mem>>
      %dma_start3A_77 = arith.constant 0 : i32
      %dma_start3A_78 = arith.constant 0 : i32
      %dma_start3A_79 = tpu.memref_slice %arg3[%add3A, %dma_start3A_77, %dma_start3A_78] : memref<32x125x80xi32, #tpu.memory_space<hbm>> -> memref<1x125x80xi32, #tpu.memory_space<hbm>>
      %dma_start3A_80 = tpu.memref_squeeze %dma_start3A_79 : memref<1x125x80xi32, #tpu.memory_space<hbm>> -> memref<125x80xi32, #tpu.memory_space<hbm>>
      %dma_start3A_81 = arith.constant 0 : i32
      %dma_start3A_82 = arith.constant 0 : i32
      %dma_start3A_83 = tpu.memref_slice %arg3[%add3A, %dma_start3A_81, %dma_start3A_82] : memref<32x125x80xi32, #tpu.memory_space<hbm>> -> memref<1x125x80xi32, #tpu.memory_space<hbm>>
      %dma_start3A_84 = tpu.memref_squeeze %dma_start3A_83 : memref<1x125x80xi32, #tpu.memory_space<hbm>> -> memref<125x80xi32, #tpu.memory_space<hbm>>
      tpu.enqueue_dma source(%dma_start3A_84 : memref<125x80xi32, #tpu.memory_space<hbm>>) target(%arg8 : memref<125x80xi32, #tpu.memory_space<vmem>>) target_semaphore(%run_scoped3A : memref<!tpu.dma_semaphore, #tpu.memory_space<semaphore_mem>>)
      %dma_wait3A = arith.constant 0 : i32
      %dma_wait3A_85 = arith.constant 0 : i32
      %dma_wait3A_86 = tpu.memref_slice %arg3[%add3A, %dma_wait3A, %dma_wait3A_85] : memref<32x125x80xi32, #tpu.memory_space<hbm>> -> memref<1x125x80xi32, #tpu.memory_space<hbm>>
      %dma_wait3A_87 = tpu.memref_squeeze %dma_wait3A_86 : memref<1x125x80xi32, #tpu.memory_space<hbm>> -> memref<125x80xi32, #tpu.memory_space<hbm>>
      %dma_wait3A_88 = arith.constant 0 : i32
      %dma_wait3A_89 = arith.constant 0 : i32
      %dma_wait3A_90 = tpu.memref_slice %arg3[%add3A, %dma_wait3A_88, %dma_wait3A_89] : memref<32x125x80xi32, #tpu.memory_space<hbm>> -> memref<1x125x80xi32, #tpu.memory_space<hbm>>
      %dma_wait3A_91 = tpu.memref_squeeze %dma_wait3A_90 : memref<1x125x80xi32, #tpu.memory_space<hbm>> -> memref<125x80xi32, #tpu.memory_space<hbm>>
      tpu.wait_dma2 semaphore(%run_scoped3A : memref<!tpu.dma_semaphore, #tpu.memory_space<semaphore_mem>>) src(%dma_wait3A_91 : memref<125x80xi32, #tpu.memory_space<hbm>>) dst(%arg8 : memref<125x80xi32, #tpu.memory_space<vmem>>)
      tpu.yield
    }) : () -> ()
    %dma_start3A = arith.constant 0 : i32
    %dma_start3A_9 = arith.constant 0 : i32
    %dma_start3A_10 = arith.constant 0 : i32
    %dma_start3A_11 = arith.constant 0 : i32
    %dma_start3A_12 = tpu.memref_slice %arg9[%dma_start3A_9, %dma_start3A_10, %dma_start3A_11] : memref<5x80x16xf32, #tpu.memory_space<vmem>> -> memref<1x80x16xf32, #tpu.memory_space<vmem>>
    %dma_start3A_13 = tpu.memref_squeeze %dma_start3A_12 : memref<1x80x16xf32, #tpu.memory_space<vmem>> -> memref<80x16xf32, #tpu.memory_space<vmem>>
    %dma_start3A_14 = arith.constant 0 : i32
    %dma_start3A_15 = tpu.memref_slice %arg7[%dma_start3A, %dma_start3A_14] : memref<125x80xi32, #tpu.memory_space<vmem>> -> memref<1x80xi32, #tpu.memory_space<vmem>>
    %dma_start3A_16 = tpu.memref_squeeze %dma_start3A_15 : memref<1x80xi32, #tpu.memory_space<vmem>> -> memref<80xi32, #tpu.memory_space<vmem>>
    %dma_start3A_17 = arith.constant 0 : i32
    %dma_start3A_18 = arith.constant 0 : i32
    %dma_start3A_19 = tpu.memref_slice %arg11[%dma_start3A_17, %dma_start3A_18] : memref<10112x16xf32, #tpu.memory_space<vmem_shared>> -> memref<10112x16xf32, #tpu.memory_space<vmem_shared>>
    tpu.enqueue_indirect_dma source(%dma_start3A_19 : memref<10112x16xf32, #tpu.memory_space<vmem_shared>>) target(%dma_start3A_13 : memref<80x16xf32, #tpu.memory_space<vmem>>) offsets(%dma_start3A_16 : memref<80xi32, #tpu.memory_space<vmem>>) semaphore(%arg12 : memref<!tpu.dma_semaphore, #tpu.memory_space<semaphore_mem>>)
    %dma_start3A_20 = arith.constant 1 : i32
    %dma_start3A_21 = arith.constant 1 : i32
    %dma_start3A_22 = arith.constant 0 : i32
    %dma_start3A_23 = arith.constant 0 : i32
    %dma_start3A_24 = tpu.memref_slice %arg9[%dma_start3A_21, %dma_start3A_22, %dma_start3A_23] : memref<5x80x16xf32, #tpu.memory_space<vmem>> -> memref<1x80x16xf32, #tpu.memory_space<vmem>>
    %dma_start3A_25 = tpu.memref_squeeze %dma_start3A_24 : memref<1x80x16xf32, #tpu.memory_space<vmem>> -> memref<80x16xf32, #tpu.memory_space<vmem>>
    %dma_start3A_26 = arith.constant 0 : i32
    %dma_start3A_27 = tpu.memref_slice %arg7[%dma_start3A_20, %dma_start3A_26] : memref<125x80xi32, #tpu.memory_space<vmem>> -> memref<1x80xi32, #tpu.memory_space<vmem>>
    %dma_start3A_28 = tpu.memref_squeeze %dma_start3A_27 : memref<1x80xi32, #tpu.memory_space<vmem>> -> memref<80xi32, #tpu.memory_space<vmem>>
    %dma_start3A_29 = arith.constant 0 : i32
    %dma_start3A_30 = arith.constant 0 : i32
    %dma_start3A_31 = tpu.memref_slice %arg11[%dma_start3A_29, %dma_start3A_30] : memref<10112x16xf32, #tpu.memory_space<vmem_shared>> -> memref<10112x16xf32, #tpu.memory_space<vmem_shared>>
    tpu.enqueue_indirect_dma source(%dma_start3A_31 : memref<10112x16xf32, #tpu.memory_space<vmem_shared>>) target(%dma_start3A_25 : memref<80x16xf32, #tpu.memory_space<vmem>>) offsets(%dma_start3A_28 : memref<80xi32, #tpu.memory_space<vmem>>) semaphore(%arg12 : memref<!tpu.dma_semaphore, #tpu.memory_space<semaphore_mem>>)
    %dma_start3A_32 = arith.constant 2 : i32
    %dma_start3A_33 = arith.constant 2 : i32
    %dma_start3A_34 = arith.constant 0 : i32
    %dma_start3A_35 = arith.constant 0 : i32
    %dma_start3A_36 = tpu.memref_slice %arg9[%dma_start3A_33, %dma_start3A_34, %dma_start3A_35] : memref<5x80x16xf32, #tpu.memory_space<vmem>> -> memref<1x80x16xf32, #tpu.memory_space<vmem>>
    %dma_start3A_37 = tpu.memref_squeeze %dma_start3A_36 : memref<1x80x16xf32, #tpu.memory_space<vmem>> -> memref<80x16xf32, #tpu.memory_space<vmem>>
    %dma_start3A_38 = arith.constant 0 : i32
    %dma_start3A_39 = tpu.memref_slice %arg7[%dma_start3A_32, %dma_start3A_38] : memref<125x80xi32, #tpu.memory_space<vmem>> -> memref<1x80xi32, #tpu.memory_space<vmem>>
    %dma_start3A_40 = tpu.memref_squeeze %dma_start3A_39 : memref<1x80xi32, #tpu.memory_space<vmem>> -> memref<80xi32, #tpu.memory_space<vmem>>
    %dma_start3A_41 = arith.constant 0 : i32
    %dma_start3A_42 = arith.constant 0 : i32
    %dma_start3A_43 = tpu.memref_slice %arg11[%dma_start3A_41, %dma_start3A_42] : memref<10112x16xf32, #tpu.memory_space<vmem_shared>> -> memref<10112x16xf32, #tpu.memory_space<vmem_shared>>
    tpu.enqueue_indirect_dma source(%dma_start3A_43 : memref<10112x16xf32, #tpu.memory_space<vmem_shared>>) target(%dma_start3A_37 : memref<80x16xf32, #tpu.memory_space<vmem>>) offsets(%dma_start3A_40 : memref<80xi32, #tpu.memory_space<vmem>>) semaphore(%arg12 : memref<!tpu.dma_semaphore, #tpu.memory_space<semaphore_mem>>)
    %dma_start3A_44 = arith.constant 3 : i32
    %dma_start3A_45 = arith.constant 3 : i32
    %dma_start3A_46 = arith.constant 0 : i32
    %dma_start3A_47 = arith.constant 0 : i32
    %dma_start3A_48 = tpu.memref_slice %arg9[%dma_start3A_45, %dma_start3A_46, %dma_start3A_47] : memref<5x80x16xf32, #tpu.memory_space<vmem>> -> memref<1x80x16xf32, #tpu.memory_space<vmem>>
    %dma_start3A_49 = tpu.memref_squeeze %dma_start3A_48 : memref<1x80x16xf32, #tpu.memory_space<vmem>> -> memref<80x16xf32, #tpu.memory_space<vmem>>
    %dma_start3A_50 = arith.constant 0 : i32
    %dma_start3A_51 = tpu.memref_slice %arg7[%dma_start3A_44, %dma_start3A_50] : memref<125x80xi32, #tpu.memory_space<vmem>> -> memref<1x80xi32, #tpu.memory_space<vmem>>
    %dma_start3A_52 = tpu.memref_squeeze %dma_start3A_51 : memref<1x80xi32, #tpu.memory_space<vmem>> -> memref<80xi32, #tpu.memory_space<vmem>>
    %dma_start3A_53 = arith.constant 0 : i32
    %dma_start3A_54 = arith.constant 0 : i32
    %dma_start3A_55 = tpu.memref_slice %arg11[%dma_start3A_53, %dma_start3A_54] : memref<10112x16xf32, #tpu.memory_space<vmem_shared>> -> memref<10112x16xf32, #tpu.memory_space<vmem_shared>>
    tpu.enqueue_indirect_dma source(%dma_start3A_55 : memref<10112x16xf32, #tpu.memory_space<vmem_shared>>) target(%dma_start3A_49 : memref<80x16xf32, #tpu.memory_space<vmem>>) offsets(%dma_start3A_52 : memref<80xi32, #tpu.memory_space<vmem>>) semaphore(%arg12 : memref<!tpu.dma_semaphore, #tpu.memory_space<semaphore_mem>>)
    %dma_start3A_56 = arith.constant 4 : i32
    %dma_start3A_57 = arith.constant 4 : i32
    %dma_start3A_58 = arith.constant 0 : i32
    %dma_start3A_59 = arith.constant 0 : i32
    %dma_start3A_60 = tpu.memref_slice %arg9[%dma_start3A_57, %dma_start3A_58, %dma_start3A_59] : memref<5x80x16xf32, #tpu.memory_space<vmem>> -> memref<1x80x16xf32, #tpu.memory_space<vmem>>
    %dma_start3A_61 = tpu.memref_squeeze %dma_start3A_60 : memref<1x80x16xf32, #tpu.memory_space<vmem>> -> memref<80x16xf32, #tpu.memory_space<vmem>>
    %dma_start3A_62 = arith.constant 0 : i32
    %dma_start3A_63 = tpu.memref_slice %arg7[%dma_start3A_56, %dma_start3A_62] : memref<125x80xi32, #tpu.memory_space<vmem>> -> memref<1x80xi32, #tpu.memory_space<vmem>>
    %dma_start3A_64 = tpu.memref_squeeze %dma_start3A_63 : memref<1x80xi32, #tpu.memory_space<vmem>> -> memref<80xi32, #tpu.memory_space<vmem>>
    %dma_start3A_65 = arith.constant 0 : i32
    %dma_start3A_66 = arith.constant 0 : i32
    %dma_start3A_67 = tpu.memref_slice %arg11[%dma_start3A_65, %dma_start3A_66] : memref<10112x16xf32, #tpu.memory_space<vmem_shared>> -> memref<10112x16xf32, #tpu.memory_space<vmem_shared>>
    tpu.enqueue_indirect_dma source(%dma_start3A_67 : memref<10112x16xf32, #tpu.memory_space<vmem_shared>>) target(%dma_start3A_61 : memref<80x16xf32, #tpu.memory_space<vmem>>) offsets(%dma_start3A_64 : memref<80xi32, #tpu.memory_space<vmem>>) semaphore(%arg12 : memref<!tpu.dma_semaphore, #tpu.memory_space<semaphore_mem>>)
    %scan3A = arith.constant 0 : i32
    %scan3A_68 = arith.constant 25 : i32
    %scan3A_69 = arith.addi %scan3A, %scan3A_68 : i32
    %scan3A_70 = arith.constant 1 : i32
    scf.for %scan3A_77 = %scan3A to %scan3A_69 step %scan3A_70  : i32 {
      %mul3A_78 = arith.constant 1 : i32
      %mul3A_79 = arith.muli %scan3A_77, %mul3A_78 : i32
      %add3A_80 = arith.constant 0 : i32
      %add3A_81 = arith.addi %add3A_80, %mul3A_79 : i32
      %mul3A_82 = arith.constant 5 : i32
      %mul3A_83 = arith.muli %add3A_81, %mul3A_82 : i32
      %add3A_84 = arith.constant 0 : i32
      %add3A_85 = arith.addi %mul3A_83, %add3A_84 : i32
      %dma_wait3A = arith.constant 0 : i32
      %dma_wait3A_86 = arith.constant 0 : i32
      %dma_wait3A_87 = arith.constant 0 : i32
      %dma_wait3A_88 = tpu.memref_slice %arg9[%dma_wait3A, %dma_wait3A_86, %dma_wait3A_87] : memref<5x80x16xf32, #tpu.memory_space<vmem>> -> memref<1x80x16xf32, #tpu.memory_space<vmem>>
      %dma_wait3A_89 = tpu.memref_squeeze %dma_wait3A_88 : memref<1x80x16xf32, #tpu.memory_space<vmem>> -> memref<80x16xf32, #tpu.memory_space<vmem>>
      %dma_wait3A_90 = arith.constant 0 : i32
      %dma_wait3A_91 = tpu.memref_slice %arg7[%add3A_85, %dma_wait3A_90] : memref<125x80xi32, #tpu.memory_space<vmem>> -> memref<1x80xi32, #tpu.memory_space<vmem>>
      %dma_wait3A_92 = tpu.memref_squeeze %dma_wait3A_91 : memref<1x80xi32, #tpu.memory_space<vmem>> -> memref<80xi32, #tpu.memory_space<vmem>>
      %dma_wait3A_93 = arith.constant 0 : i32
      %dma_wait3A_94 = arith.constant 0 : i32
      %dma_wait3A_95 = tpu.memref_slice %arg11[%dma_wait3A_93, %dma_wait3A_94] : memref<10112x16xf32, #tpu.memory_space<vmem_shared>> -> memref<10112x16xf32, #tpu.memory_space<vmem_shared>>
      tpu.wait_indirect_dma semaphore(%arg12 : memref<!tpu.dma_semaphore, #tpu.memory_space<semaphore_mem>>) src(%dma_wait3A_95 : memref<10112x16xf32, #tpu.memory_space<vmem_shared>>) dst(%dma_wait3A_89 : memref<80x16xf32, #tpu.memory_space<vmem>>)
      %dma_start3A_96 = arith.constant 0 : i32
      %dma_start3A_97 = arith.constant 0 : i32
      %dma_start3A_98 = arith.constant 0 : i32
      %dma_start3A_99 = tpu.memref_slice %arg9[%dma_start3A_96, %dma_start3A_97, %dma_start3A_98] : memref<5x80x16xf32, #tpu.memory_space<vmem>> -> memref<1x80x16xf32, #tpu.memory_space<vmem>>
      %dma_start3A_100 = tpu.memref_squeeze %dma_start3A_99 : memref<1x80x16xf32, #tpu.memory_space<vmem>> -> memref<80x16xf32, #tpu.memory_space<vmem>>
      %dma_start3A_101 = arith.constant 0 : i32
      %dma_start3A_102 = tpu.memref_slice %arg8[%add3A_85, %dma_start3A_101] : memref<125x80xi32, #tpu.memory_space<vmem>> -> memref<1x80xi32, #tpu.memory_space<vmem>>
      %dma_start3A_103 = tpu.memref_squeeze %dma_start3A_102 : memref<1x80xi32, #tpu.memory_space<vmem>> -> memref<80xi32, #tpu.memory_space<vmem>>
      %dma_start3A_104 = arith.constant 0 : i32
      %dma_start3A_105 = arith.constant 0 : i32
      %dma_start3A_106 = tpu.memref_slice %arg10[%dma_start3A_104, %dma_start3A_105] : memref<10112x16xf32, #tpu.memory_space<vmem_shared>> -> memref<10112x16xf32, #tpu.memory_space<vmem_shared>>
      tpu.enqueue_indirect_dma source(%dma_start3A_100 : memref<80x16xf32, #tpu.memory_space<vmem>>) target(%dma_start3A_106 : memref<10112x16xf32, #tpu.memory_space<vmem_shared>>) offsets(%dma_start3A_103 : memref<80xi32, #tpu.memory_space<vmem>>) semaphore(%arg13 : memref<!tpu.dma_semaphore, #tpu.memory_space<semaphore_mem>>) {add = true}
      %dma_wait3A_107 = arith.constant 0 : i32
      %dma_wait3A_108 = arith.constant 0 : i32
      %dma_wait3A_109 = arith.constant 0 : i32
      %dma_wait3A_110 = tpu.memref_slice %arg9[%dma_wait3A_107, %dma_wait3A_108, %dma_wait3A_109] : memref<5x80x16xf32, #tpu.memory_space<vmem>> -> memref<1x80x16xf32, #tpu.memory_space<vmem>>
      %dma_wait3A_111 = tpu.memref_squeeze %dma_wait3A_110 : memref<1x80x16xf32, #tpu.memory_space<vmem>> -> memref<80x16xf32, #tpu.memory_space<vmem>>
      %dma_wait3A_112 = arith.constant 0 : i32
      %dma_wait3A_113 = tpu.memref_slice %arg8[%add3A_85, %dma_wait3A_112] : memref<125x80xi32, #tpu.memory_space<vmem>> -> memref<1x80xi32, #tpu.memory_space<vmem>>
      %dma_wait3A_114 = tpu.memref_squeeze %dma_wait3A_113 : memref<1x80xi32, #tpu.memory_space<vmem>> -> memref<80xi32, #tpu.memory_space<vmem>>
      %dma_wait3A_115 = arith.constant 0 : i32
      %dma_wait3A_116 = arith.constant 0 : i32
      %dma_wait3A_117 = tpu.memref_slice %arg10[%dma_wait3A_115, %dma_wait3A_116] : memref<10112x16xf32, #tpu.memory_space<vmem_shared>> -> memref<10112x16xf32, #tpu.memory_space<vmem_shared>>
      tpu.wait_indirect_dma semaphore(%arg13 : memref<!tpu.dma_semaphore, #tpu.memory_space<semaphore_mem>>) src(%dma_wait3A_111 : memref<80x16xf32, #tpu.memory_space<vmem>>) dst(%dma_wait3A_117 : memref<10112x16xf32, #tpu.memory_space<vmem_shared>>)
      %lt3A = arith.constant 24 : i32
      %lt3A_118 = arith.cmpi slt, %add3A_81, %lt3A : i32
      %convert_element_type3A = arith.extui %lt3A_118 : i1 to i32
      %cond3A = arith.constant 0 : i32
      %cond3A_119 = arith.cmpi ne, %convert_element_type3A, %cond3A : i32
      scf.if %cond3A_119 {
        %add3A_288 = arith.constant 5 : i32
        %add3A_289 = arith.addi %add3A_85, %add3A_288 : i32
        %dma_start3A_290 = arith.constant 0 : i32
        %dma_start3A_291 = arith.constant 0 : i32
        %dma_start3A_292 = arith.constant 0 : i32
        %dma_start3A_293 = tpu.memref_slice %arg9[%dma_start3A_290, %dma_start3A_291, %dma_start3A_292] : memref<5x80x16xf32, #tpu.memory_space<vmem>> -> memref<1x80x16xf32, #tpu.memory_space<vmem>>
        %dma_start3A_294 = tpu.memref_squeeze %dma_start3A_293 : memref<1x80x16xf32, #tpu.memory_space<vmem>> -> memref<80x16xf32, #tpu.memory_space<vmem>>
        %dma_start3A_295 = arith.constant 0 : i32
        %dma_start3A_296 = tpu.memref_slice %arg7[%add3A_289, %dma_start3A_295] : memref<125x80xi32, #tpu.memory_space<vmem>> -> memref<1x80xi32, #tpu.memory_space<vmem>>
        %dma_start3A_297 = tpu.memref_squeeze %dma_start3A_296 : memref<1x80xi32, #tpu.memory_space<vmem>> -> memref<80xi32, #tpu.memory_space<vmem>>
        %dma_start3A_298 = arith.constant 0 : i32
        %dma_start3A_299 = arith.constant 0 : i32
        %dma_start3A_300 = tpu.memref_slice %arg11[%dma_start3A_298, %dma_start3A_299] : memref<10112x16xf32, #tpu.memory_space<vmem_shared>> -> memref<10112x16xf32, #tpu.memory_space<vmem_shared>>
        tpu.enqueue_indirect_dma source(%dma_start3A_300 : memref<10112x16xf32, #tpu.memory_space<vmem_shared>>) target(%dma_start3A_294 : memref<80x16xf32, #tpu.memory_space<vmem>>) offsets(%dma_start3A_297 : memref<80xi32, #tpu.memory_space<vmem>>) semaphore(%arg12 : memref<!tpu.dma_semaphore, #tpu.memory_space<semaphore_mem>>)
      } else {
      }
      %mul3A_120 = arith.constant 5 : i32
      %mul3A_121 = arith.muli %add3A_81, %mul3A_120 : i32
      %add3A_122 = arith.constant 1 : i32
      %add3A_123 = arith.addi %mul3A_121, %add3A_122 : i32
      %dma_wait3A_124 = arith.constant 1 : i32
      %dma_wait3A_125 = arith.constant 0 : i32
      %dma_wait3A_126 = arith.constant 0 : i32
      %dma_wait3A_127 = tpu.memref_slice %arg9[%dma_wait3A_124, %dma_wait3A_125, %dma_wait3A_126] : memref<5x80x16xf32, #tpu.memory_space<vmem>> -> memref<1x80x16xf32, #tpu.memory_space<vmem>>
      %dma_wait3A_128 = tpu.memref_squeeze %dma_wait3A_127 : memref<1x80x16xf32, #tpu.memory_space<vmem>> -> memref<80x16xf32, #tpu.memory_space<vmem>>
      %dma_wait3A_129 = arith.constant 0 : i32
      %dma_wait3A_130 = tpu.memref_slice %arg7[%add3A_123, %dma_wait3A_129] : memref<125x80xi32, #tpu.memory_space<vmem>> -> memref<1x80xi32, #tpu.memory_space<vmem>>
      %dma_wait3A_131 = tpu.memref_squeeze %dma_wait3A_130 : memref<1x80xi32, #tpu.memory_space<vmem>> -> memref<80xi32, #tpu.memory_space<vmem>>
      %dma_wait3A_132 = arith.constant 0 : i32
      %dma_wait3A_133 = arith.constant 0 : i32
      %dma_wait3A_134 = tpu.memref_slice %arg11[%dma_wait3A_132, %dma_wait3A_133] : memref<10112x16xf32, #tpu.memory_space<vmem_shared>> -> memref<10112x16xf32, #tpu.memory_space<vmem_shared>>
      tpu.wait_indirect_dma semaphore(%arg12 : memref<!tpu.dma_semaphore, #tpu.memory_space<semaphore_mem>>) src(%dma_wait3A_134 : memref<10112x16xf32, #tpu.memory_space<vmem_shared>>) dst(%dma_wait3A_128 : memref<80x16xf32, #tpu.memory_space<vmem>>)
      %dma_start3A_135 = arith.constant 1 : i32
      %dma_start3A_136 = arith.constant 0 : i32
      %dma_start3A_137 = arith.constant 0 : i32
      %dma_start3A_138 = tpu.memref_slice %arg9[%dma_start3A_135, %dma_start3A_136, %dma_start3A_137] : memref<5x80x16xf32, #tpu.memory_space<vmem>> -> memref<1x80x16xf32, #tpu.memory_space<vmem>>
      %dma_start3A_139 = tpu.memref_squeeze %dma_start3A_138 : memref<1x80x16xf32, #tpu.memory_space<vmem>> -> memref<80x16xf32, #tpu.memory_space<vmem>>
      %dma_start3A_140 = arith.constant 0 : i32
      %dma_start3A_141 = tpu.memref_slice %arg8[%add3A_123, %dma_start3A_140] : memref<125x80xi32, #tpu.memory_space<vmem>> -> memref<1x80xi32, #tpu.memory_space<vmem>>
      %dma_start3A_142 = tpu.memref_squeeze %dma_start3A_141 : memref<1x80xi32, #tpu.memory_space<vmem>> -> memref<80xi32, #tpu.memory_space<vmem>>
      %dma_start3A_143 = arith.constant 0 : i32
      %dma_start3A_144 = arith.constant 0 : i32
      %dma_start3A_145 = tpu.memref_slice %arg10[%dma_start3A_143, %dma_start3A_144] : memref<10112x16xf32, #tpu.memory_space<vmem_shared>> -> memref<10112x16xf32, #tpu.memory_space<vmem_shared>>
      tpu.enqueue_indirect_dma source(%dma_start3A_139 : memref<80x16xf32, #tpu.memory_space<vmem>>) target(%dma_start3A_145 : memref<10112x16xf32, #tpu.memory_space<vmem_shared>>) offsets(%dma_start3A_142 : memref<80xi32, #tpu.memory_space<vmem>>) semaphore(%arg13 : memref<!tpu.dma_semaphore, #tpu.memory_space<semaphore_mem>>) {add = true}
      %dma_wait3A_146 = arith.constant 1 : i32
      %dma_wait3A_147 = arith.constant 0 : i32
      %dma_wait3A_148 = arith.constant 0 : i32
      %dma_wait3A_149 = tpu.memref_slice %arg9[%dma_wait3A_146, %dma_wait3A_147, %dma_wait3A_148] : memref<5x80x16xf32, #tpu.memory_space<vmem>> -> memref<1x80x16xf32, #tpu.memory_space<vmem>>
      %dma_wait3A_150 = tpu.memref_squeeze %dma_wait3A_149 : memref<1x80x16xf32, #tpu.memory_space<vmem>> -> memref<80x16xf32, #tpu.memory_space<vmem>>
      %dma_wait3A_151 = arith.constant 0 : i32
      %dma_wait3A_152 = tpu.memref_slice %arg8[%add3A_123, %dma_wait3A_151] : memref<125x80xi32, #tpu.memory_space<vmem>> -> memref<1x80xi32, #tpu.memory_space<vmem>>
      %dma_wait3A_153 = tpu.memref_squeeze %dma_wait3A_152 : memref<1x80xi32, #tpu.memory_space<vmem>> -> memref<80xi32, #tpu.memory_space<vmem>>
      %dma_wait3A_154 = arith.constant 0 : i32
      %dma_wait3A_155 = arith.constant 0 : i32
      %dma_wait3A_156 = tpu.memref_slice %arg10[%dma_wait3A_154, %dma_wait3A_155] : memref<10112x16xf32, #tpu.memory_space<vmem_shared>> -> memref<10112x16xf32, #tpu.memory_space<vmem_shared>>
      tpu.wait_indirect_dma semaphore(%arg13 : memref<!tpu.dma_semaphore, #tpu.memory_space<semaphore_mem>>) src(%dma_wait3A_150 : memref<80x16xf32, #tpu.memory_space<vmem>>) dst(%dma_wait3A_156 : memref<10112x16xf32, #tpu.memory_space<vmem_shared>>)
      %lt3A_157 = arith.constant 24 : i32
      %lt3A_158 = arith.cmpi slt, %add3A_81, %lt3A_157 : i32
      %convert_element_type3A_159 = arith.extui %lt3A_158 : i1 to i32
      %cond3A_160 = arith.constant 0 : i32
      %cond3A_161 = arith.cmpi ne, %convert_element_type3A_159, %cond3A_160 : i32
      scf.if %cond3A_161 {
        %add3A_288 = arith.constant 5 : i32
        %add3A_289 = arith.addi %add3A_123, %add3A_288 : i32
        %dma_start3A_290 = arith.constant 1 : i32
        %dma_start3A_291 = arith.constant 0 : i32
        %dma_start3A_292 = arith.constant 0 : i32
        %dma_start3A_293 = tpu.memref_slice %arg9[%dma_start3A_290, %dma_start3A_291, %dma_start3A_292] : memref<5x80x16xf32, #tpu.memory_space<vmem>> -> memref<1x80x16xf32, #tpu.memory_space<vmem>>
        %dma_start3A_294 = tpu.memref_squeeze %dma_start3A_293 : memref<1x80x16xf32, #tpu.memory_space<vmem>> -> memref<80x16xf32, #tpu.memory_space<vmem>>
        %dma_start3A_295 = arith.constant 0 : i32
        %dma_start3A_296 = tpu.memref_slice %arg7[%add3A_289, %dma_start3A_295] : memref<125x80xi32, #tpu.memory_space<vmem>> -> memref<1x80xi32, #tpu.memory_space<vmem>>
        %dma_start3A_297 = tpu.memref_squeeze %dma_start3A_296 : memref<1x80xi32, #tpu.memory_space<vmem>> -> memref<80xi32, #tpu.memory_space<vmem>>
        %dma_start3A_298 = arith.constant 0 : i32
        %dma_start3A_299 = arith.constant 0 : i32
        %dma_start3A_300 = tpu.memref_slice %arg11[%dma_start3A_298, %dma_start3A_299] : memref<10112x16xf32, #tpu.memory_space<vmem_shared>> -> memref<10112x16xf32, #tpu.memory_space<vmem_shared>>
        tpu.enqueue_indirect_dma source(%dma_start3A_300 : memref<10112x16xf32, #tpu.memory_space<vmem_shared>>) target(%dma_start3A_294 : memref<80x16xf32, #tpu.memory_space<vmem>>) offsets(%dma_start3A_297 : memref<80xi32, #tpu.memory_space<vmem>>) semaphore(%arg12 : memref<!tpu.dma_semaphore, #tpu.memory_space<semaphore_mem>>)
      } else {
      }
      %mul3A_162 = arith.constant 5 : i32
      %mul3A_163 = arith.muli %add3A_81, %mul3A_162 : i32
      %add3A_164 = arith.constant 2 : i32
      %add3A_165 = arith.addi %mul3A_163, %add3A_164 : i32
      %dma_wait3A_166 = arith.constant 2 : i32
      %dma_wait3A_167 = arith.constant 0 : i32
      %dma_wait3A_168 = arith.constant 0 : i32
      %dma_wait3A_169 = tpu.memref_slice %arg9[%dma_wait3A_166, %dma_wait3A_167, %dma_wait3A_168] : memref<5x80x16xf32, #tpu.memory_space<vmem>> -> memref<1x80x16xf32, #tpu.memory_space<vmem>>
      %dma_wait3A_170 = tpu.memref_squeeze %dma_wait3A_169 : memref<1x80x16xf32, #tpu.memory_space<vmem>> -> memref<80x16xf32, #tpu.memory_space<vmem>>
      %dma_wait3A_171 = arith.constant 0 : i32
      %dma_wait3A_172 = tpu.memref_slice %arg7[%add3A_165, %dma_wait3A_171] : memref<125x80xi32, #tpu.memory_space<vmem>> -> memref<1x80xi32, #tpu.memory_space<vmem>>
      %dma_wait3A_173 = tpu.memref_squeeze %dma_wait3A_172 : memref<1x80xi32, #tpu.memory_space<vmem>> -> memref<80xi32, #tpu.memory_space<vmem>>
      %dma_wait3A_174 = arith.constant 0 : i32
      %dma_wait3A_175 = arith.constant 0 : i32
      %dma_wait3A_176 = tpu.memref_slice %arg11[%dma_wait3A_174, %dma_wait3A_175] : memref<10112x16xf32, #tpu.memory_space<vmem_shared>> -> memref<10112x16xf32, #tpu.memory_space<vmem_shared>>
      tpu.wait_indirect_dma semaphore(%arg12 : memref<!tpu.dma_semaphore, #tpu.memory_space<semaphore_mem>>) src(%dma_wait3A_176 : memref<10112x16xf32, #tpu.memory_space<vmem_shared>>) dst(%dma_wait3A_170 : memref<80x16xf32, #tpu.memory_space<vmem>>)
      %dma_start3A_177 = arith.constant 2 : i32
      %dma_start3A_178 = arith.constant 0 : i32
      %dma_start3A_179 = arith.constant 0 : i32
      %dma_start3A_180 = tpu.memref_slice %arg9[%dma_start3A_177, %dma_start3A_178, %dma_start3A_179] : memref<5x80x16xf32, #tpu.memory_space<vmem>> -> memref<1x80x16xf32, #tpu.memory_space<vmem>>
      %dma_start3A_181 = tpu.memref_squeeze %dma_start3A_180 : memref<1x80x16xf32, #tpu.memory_space<vmem>> -> memref<80x16xf32, #tpu.memory_space<vmem>>
      %dma_start3A_182 = arith.constant 0 : i32
      %dma_start3A_183 = tpu.memref_slice %arg8[%add3A_165, %dma_start3A_182] : memref<125x80xi32, #tpu.memory_space<vmem>> -> memref<1x80xi32, #tpu.memory_space<vmem>>
      %dma_start3A_184 = tpu.memref_squeeze %dma_start3A_183 : memref<1x80xi32, #tpu.memory_space<vmem>> -> memref<80xi32, #tpu.memory_space<vmem>>
      %dma_start3A_185 = arith.constant 0 : i32
      %dma_start3A_186 = arith.constant 0 : i32
      %dma_start3A_187 = tpu.memref_slice %arg10[%dma_start3A_185, %dma_start3A_186] : memref<10112x16xf32, #tpu.memory_space<vmem_shared>> -> memref<10112x16xf32, #tpu.memory_space<vmem_shared>>
      tpu.enqueue_indirect_dma source(%dma_start3A_181 : memref<80x16xf32, #tpu.memory_space<vmem>>) target(%dma_start3A_187 : memref<10112x16xf32, #tpu.memory_space<vmem_shared>>) offsets(%dma_start3A_184 : memref<80xi32, #tpu.memory_space<vmem>>) semaphore(%arg13 : memref<!tpu.dma_semaphore, #tpu.memory_space<semaphore_mem>>) {add = true}
      %dma_wait3A_188 = arith.constant 2 : i32
      %dma_wait3A_189 = arith.constant 0 : i32
      %dma_wait3A_190 = arith.constant 0 : i32
      %dma_wait3A_191 = tpu.memref_slice %arg9[%dma_wait3A_188, %dma_wait3A_189, %dma_wait3A_190] : memref<5x80x16xf32, #tpu.memory_space<vmem>> -> memref<1x80x16xf32, #tpu.memory_space<vmem>>
      %dma_wait3A_192 = tpu.memref_squeeze %dma_wait3A_191 : memref<1x80x16xf32, #tpu.memory_space<vmem>> -> memref<80x16xf32, #tpu.memory_space<vmem>>
      %dma_wait3A_193 = arith.constant 0 : i32
      %dma_wait3A_194 = tpu.memref_slice %arg8[%add3A_165, %dma_wait3A_193] : memref<125x80xi32, #tpu.memory_space<vmem>> -> memref<1x80xi32, #tpu.memory_space<vmem>>
      %dma_wait3A_195 = tpu.memref_squeeze %dma_wait3A_194 : memref<1x80xi32, #tpu.memory_space<vmem>> -> memref<80xi32, #tpu.memory_space<vmem>>
      %dma_wait3A_196 = arith.constant 0 : i32
      %dma_wait3A_197 = arith.constant 0 : i32
      %dma_wait3A_198 = tpu.memref_slice %arg10[%dma_wait3A_196, %dma_wait3A_197] : memref<10112x16xf32, #tpu.memory_space<vmem_shared>> -> memref<10112x16xf32, #tpu.memory_space<vmem_shared>>
      tpu.wait_indirect_dma semaphore(%arg13 : memref<!tpu.dma_semaphore, #tpu.memory_space<semaphore_mem>>) src(%dma_wait3A_192 : memref<80x16xf32, #tpu.memory_space<vmem>>) dst(%dma_wait3A_198 : memref<10112x16xf32, #tpu.memory_space<vmem_shared>>)
      %lt3A_199 = arith.constant 24 : i32
      %lt3A_200 = arith.cmpi slt, %add3A_81, %lt3A_199 : i32
      %convert_element_type3A_201 = arith.extui %lt3A_200 : i1 to i32
      %cond3A_202 = arith.constant 0 : i32
      %cond3A_203 = arith.cmpi ne, %convert_element_type3A_201, %cond3A_202 : i32
      scf.if %cond3A_203 {
        %add3A_288 = arith.constant 5 : i32
        %add3A_289 = arith.addi %add3A_165, %add3A_288 : i32
        %dma_start3A_290 = arith.constant 2 : i32
        %dma_start3A_291 = arith.constant 0 : i32
        %dma_start3A_292 = arith.constant 0 : i32
        %dma_start3A_293 = tpu.memref_slice %arg9[%dma_start3A_290, %dma_start3A_291, %dma_start3A_292] : memref<5x80x16xf32, #tpu.memory_space<vmem>> -> memref<1x80x16xf32, #tpu.memory_space<vmem>>
        %dma_start3A_294 = tpu.memref_squeeze %dma_start3A_293 : memref<1x80x16xf32, #tpu.memory_space<vmem>> -> memref<80x16xf32, #tpu.memory_space<vmem>>
        %dma_start3A_295 = arith.constant 0 : i32
        %dma_start3A_296 = tpu.memref_slice %arg7[%add3A_289, %dma_start3A_295] : memref<125x80xi32, #tpu.memory_space<vmem>> -> memref<1x80xi32, #tpu.memory_space<vmem>>
        %dma_start3A_297 = tpu.memref_squeeze %dma_start3A_296 : memref<1x80xi32, #tpu.memory_space<vmem>> -> memref<80xi32, #tpu.memory_space<vmem>>
        %dma_start3A_298 = arith.constant 0 : i32
        %dma_start3A_299 = arith.constant 0 : i32
        %dma_start3A_300 = tpu.memref_slice %arg11[%dma_start3A_298, %dma_start3A_299] : memref<10112x16xf32, #tpu.memory_space<vmem_shared>> -> memref<10112x16xf32, #tpu.memory_space<vmem_shared>>
        tpu.enqueue_indirect_dma source(%dma_start3A_300 : memref<10112x16xf32, #tpu.memory_space<vmem_shared>>) target(%dma_start3A_294 : memref<80x16xf32, #tpu.memory_space<vmem>>) offsets(%dma_start3A_297 : memref<80xi32, #tpu.memory_space<vmem>>) semaphore(%arg12 : memref<!tpu.dma_semaphore, #tpu.memory_space<semaphore_mem>>)
      } else {
      }
      %mul3A_204 = arith.constant 5 : i32
      %mul3A_205 = arith.muli %add3A_81, %mul3A_204 : i32
      %add3A_206 = arith.constant 3 : i32
      %add3A_207 = arith.addi %mul3A_205, %add3A_206 : i32
      %dma_wait3A_208 = arith.constant 3 : i32
      %dma_wait3A_209 = arith.constant 0 : i32
      %dma_wait3A_210 = arith.constant 0 : i32
      %dma_wait3A_211 = tpu.memref_slice %arg9[%dma_wait3A_208, %dma_wait3A_209, %dma_wait3A_210] : memref<5x80x16xf32, #tpu.memory_space<vmem>> -> memref<1x80x16xf32, #tpu.memory_space<vmem>>
      %dma_wait3A_212 = tpu.memref_squeeze %dma_wait3A_211 : memref<1x80x16xf32, #tpu.memory_space<vmem>> -> memref<80x16xf32, #tpu.memory_space<vmem>>
      %dma_wait3A_213 = arith.constant 0 : i32
      %dma_wait3A_214 = tpu.memref_slice %arg7[%add3A_207, %dma_wait3A_213] : memref<125x80xi32, #tpu.memory_space<vmem>> -> memref<1x80xi32, #tpu.memory_space<vmem>>
      %dma_wait3A_215 = tpu.memref_squeeze %dma_wait3A_214 : memref<1x80xi32, #tpu.memory_space<vmem>> -> memref<80xi32, #tpu.memory_space<vmem>>
      %dma_wait3A_216 = arith.constant 0 : i32
      %dma_wait3A_217 = arith.constant 0 : i32
      %dma_wait3A_218 = tpu.memref_slice %arg11[%dma_wait3A_216, %dma_wait3A_217] : memref<10112x16xf32, #tpu.memory_space<vmem_shared>> -> memref<10112x16xf32, #tpu.memory_space<vmem_shared>>
      tpu.wait_indirect_dma semaphore(%arg12 : memref<!tpu.dma_semaphore, #tpu.memory_space<semaphore_mem>>) src(%dma_wait3A_218 : memref<10112x16xf32, #tpu.memory_space<vmem_shared>>) dst(%dma_wait3A_212 : memref<80x16xf32, #tpu.memory_space<vmem>>)
      %dma_start3A_219 = arith.constant 3 : i32
      %dma_start3A_220 = arith.constant 0 : i32
      %dma_start3A_221 = arith.constant 0 : i32
      %dma_start3A_222 = tpu.memref_slice %arg9[%dma_start3A_219, %dma_start3A_220, %dma_start3A_221] : memref<5x80x16xf32, #tpu.memory_space<vmem>> -> memref<1x80x16xf32, #tpu.memory_space<vmem>>
      %dma_start3A_223 = tpu.memref_squeeze %dma_start3A_222 : memref<1x80x16xf32, #tpu.memory_space<vmem>> -> memref<80x16xf32, #tpu.memory_space<vmem>>
      %dma_start3A_224 = arith.constant 0 : i32
      %dma_start3A_225 = tpu.memref_slice %arg8[%add3A_207, %dma_start3A_224] : memref<125x80xi32, #tpu.memory_space<vmem>> -> memref<1x80xi32, #tpu.memory_space<vmem>>
      %dma_start3A_226 = tpu.memref_squeeze %dma_start3A_225 : memref<1x80xi32, #tpu.memory_space<vmem>> -> memref<80xi32, #tpu.memory_space<vmem>>
      %dma_start3A_227 = arith.constant 0 : i32
      %dma_start3A_228 = arith.constant 0 : i32
      %dma_start3A_229 = tpu.memref_slice %arg10[%dma_start3A_227, %dma_start3A_228] : memref<10112x16xf32, #tpu.memory_space<vmem_shared>> -> memref<10112x16xf32, #tpu.memory_space<vmem_shared>>
      tpu.enqueue_indirect_dma source(%dma_start3A_223 : memref<80x16xf32, #tpu.memory_space<vmem>>) target(%dma_start3A_229 : memref<10112x16xf32, #tpu.memory_space<vmem_shared>>) offsets(%dma_start3A_226 : memref<80xi32, #tpu.memory_space<vmem>>) semaphore(%arg13 : memref<!tpu.dma_semaphore, #tpu.memory_space<semaphore_mem>>) {add = true}
      %dma_wait3A_230 = arith.constant 3 : i32
      %dma_wait3A_231 = arith.constant 0 : i32
      %dma_wait3A_232 = arith.constant 0 : i32
      %dma_wait3A_233 = tpu.memref_slice %arg9[%dma_wait3A_230, %dma_wait3A_231, %dma_wait3A_232] : memref<5x80x16xf32, #tpu.memory_space<vmem>> -> memref<1x80x16xf32, #tpu.memory_space<vmem>>
      %dma_wait3A_234 = tpu.memref_squeeze %dma_wait3A_233 : memref<1x80x16xf32, #tpu.memory_space<vmem>> -> memref<80x16xf32, #tpu.memory_space<vmem>>
      %dma_wait3A_235 = arith.constant 0 : i32
      %dma_wait3A_236 = tpu.memref_slice %arg8[%add3A_207, %dma_wait3A_235] : memref<125x80xi32, #tpu.memory_space<vmem>> -> memref<1x80xi32, #tpu.memory_space<vmem>>
      %dma_wait3A_237 = tpu.memref_squeeze %dma_wait3A_236 : memref<1x80xi32, #tpu.memory_space<vmem>> -> memref<80xi32, #tpu.memory_space<vmem>>
      %dma_wait3A_238 = arith.constant 0 : i32
      %dma_wait3A_239 = arith.constant 0 : i32
      %dma_wait3A_240 = tpu.memref_slice %arg10[%dma_wait3A_238, %dma_wait3A_239] : memref<10112x16xf32, #tpu.memory_space<vmem_shared>> -> memref<10112x16xf32, #tpu.memory_space<vmem_shared>>
      tpu.wait_indirect_dma semaphore(%arg13 : memref<!tpu.dma_semaphore, #tpu.memory_space<semaphore_mem>>) src(%dma_wait3A_234 : memref<80x16xf32, #tpu.memory_space<vmem>>) dst(%dma_wait3A_240 : memref<10112x16xf32, #tpu.memory_space<vmem_shared>>)
      %lt3A_241 = arith.constant 24 : i32
      %lt3A_242 = arith.cmpi slt, %add3A_81, %lt3A_241 : i32
      %convert_element_type3A_243 = arith.extui %lt3A_242 : i1 to i32
      %cond3A_244 = arith.constant 0 : i32
      %cond3A_245 = arith.cmpi ne, %convert_element_type3A_243, %cond3A_244 : i32
      scf.if %cond3A_245 {
        %add3A_288 = arith.constant 5 : i32
        %add3A_289 = arith.addi %add3A_207, %add3A_288 : i32
        %dma_start3A_290 = arith.constant 3 : i32
        %dma_start3A_291 = arith.constant 0 : i32
        %dma_start3A_292 = arith.constant 0 : i32
        %dma_start3A_293 = tpu.memref_slice %arg9[%dma_start3A_290, %dma_start3A_291, %dma_start3A_292] : memref<5x80x16xf32, #tpu.memory_space<vmem>> -> memref<1x80x16xf32, #tpu.memory_space<vmem>>
        %dma_start3A_294 = tpu.memref_squeeze %dma_start3A_293 : memref<1x80x16xf32, #tpu.memory_space<vmem>> -> memref<80x16xf32, #tpu.memory_space<vmem>>
        %dma_start3A_295 = arith.constant 0 : i32
        %dma_start3A_296 = tpu.memref_slice %arg7[%add3A_289, %dma_start3A_295] : memref<125x80xi32, #tpu.memory_space<vmem>> -> memref<1x80xi32, #tpu.memory_space<vmem>>
        %dma_start3A_297 = tpu.memref_squeeze %dma_start3A_296 : memref<1x80xi32, #tpu.memory_space<vmem>> -> memref<80xi32, #tpu.memory_space<vmem>>
        %dma_start3A_298 = arith.constant 0 : i32
        %dma_start3A_299 = arith.constant 0 : i32
        %dma_start3A_300 = tpu.memref_slice %arg11[%dma_start3A_298, %dma_start3A_299] : memref<10112x16xf32, #tpu.memory_space<vmem_shared>> -> memref<10112x16xf32, #tpu.memory_space<vmem_shared>>
        tpu.enqueue_indirect_dma source(%dma_start3A_300 : memref<10112x16xf32, #tpu.memory_space<vmem_shared>>) target(%dma_start3A_294 : memref<80x16xf32, #tpu.memory_space<vmem>>) offsets(%dma_start3A_297 : memref<80xi32, #tpu.memory_space<vmem>>) semaphore(%arg12 : memref<!tpu.dma_semaphore, #tpu.memory_space<semaphore_mem>>)
      } else {
      }
      %mul3A_246 = arith.constant 5 : i32
      %mul3A_247 = arith.muli %add3A_81, %mul3A_246 : i32
      %add3A_248 = arith.constant 4 : i32
      %add3A_249 = arith.addi %mul3A_247, %add3A_248 : i32
      %dma_wait3A_250 = arith.constant 4 : i32
      %dma_wait3A_251 = arith.constant 0 : i32
      %dma_wait3A_252 = arith.constant 0 : i32
      %dma_wait3A_253 = tpu.memref_slice %arg9[%dma_wait3A_250, %dma_wait3A_251, %dma_wait3A_252] : memref<5x80x16xf32, #tpu.memory_space<vmem>> -> memref<1x80x16xf32, #tpu.memory_space<vmem>>
      %dma_wait3A_254 = tpu.memref_squeeze %dma_wait3A_253 : memref<1x80x16xf32, #tpu.memory_space<vmem>> -> memref<80x16xf32, #tpu.memory_space<vmem>>
      %dma_wait3A_255 = arith.constant 0 : i32
      %dma_wait3A_256 = tpu.memref_slice %arg7[%add3A_249, %dma_wait3A_255] : memref<125x80xi32, #tpu.memory_space<vmem>> -> memref<1x80xi32, #tpu.memory_space<vmem>>
      %dma_wait3A_257 = tpu.memref_squeeze %dma_wait3A_256 : memref<1x80xi32, #tpu.memory_space<vmem>> -> memref<80xi32, #tpu.memory_space<vmem>>
      %dma_wait3A_258 = arith.constant 0 : i32
      %dma_wait3A_259 = arith.constant 0 : i32
      %dma_wait3A_260 = tpu.memref_slice %arg11[%dma_wait3A_258, %dma_wait3A_259] : memref<10112x16xf32, #tpu.memory_space<vmem_shared>> -> memref<10112x16xf32, #tpu.memory_space<vmem_shared>>
      tpu.wait_indirect_dma semaphore(%arg12 : memref<!tpu.dma_semaphore, #tpu.memory_space<semaphore_mem>>) src(%dma_wait3A_260 : memref<10112x16xf32, #tpu.memory_space<vmem_shared>>) dst(%dma_wait3A_254 : memref<80x16xf32, #tpu.memory_space<vmem>>)
      %dma_start3A_261 = arith.constant 4 : i32
      %dma_start3A_262 = arith.constant 0 : i32
      %dma_start3A_263 = arith.constant 0 : i32
      %dma_start3A_264 = tpu.memref_slice %arg9[%dma_start3A_261, %dma_start3A_262, %dma_start3A_263] : memref<5x80x16xf32, #tpu.memory_space<vmem>> -> memref<1x80x16xf32, #tpu.memory_space<vmem>>
      %dma_start3A_265 = tpu.memref_squeeze %dma_start3A_264 : memref<1x80x16xf32, #tpu.memory_space<vmem>> -> memref<80x16xf32, #tpu.memory_space<vmem>>
      %dma_start3A_266 = arith.constant 0 : i32
      %dma_start3A_267 = tpu.memref_slice %arg8[%add3A_249, %dma_start3A_266] : memref<125x80xi32, #tpu.memory_space<vmem>> -> memref<1x80xi32, #tpu.memory_space<vmem>>
      %dma_start3A_268 = tpu.memref_squeeze %dma_start3A_267 : memref<1x80xi32, #tpu.memory_space<vmem>> -> memref<80xi32, #tpu.memory_space<vmem>>
      %dma_start3A_269 = arith.constant 0 : i32
      %dma_start3A_270 = arith.constant 0 : i32
      %dma_start3A_271 = tpu.memref_slice %arg10[%dma_start3A_269, %dma_start3A_270] : memref<10112x16xf32, #tpu.memory_space<vmem_shared>> -> memref<10112x16xf32, #tpu.memory_space<vmem_shared>>
      tpu.enqueue_indirect_dma source(%dma_start3A_265 : memref<80x16xf32, #tpu.memory_space<vmem>>) target(%dma_start3A_271 : memref<10112x16xf32, #tpu.memory_space<vmem_shared>>) offsets(%dma_start3A_268 : memref<80xi32, #tpu.memory_space<vmem>>) semaphore(%arg13 : memref<!tpu.dma_semaphore, #tpu.memory_space<semaphore_mem>>) {add = true}
      %dma_wait3A_272 = arith.constant 4 : i32
      %dma_wait3A_273 = arith.constant 0 : i32
      %dma_wait3A_274 = arith.constant 0 : i32
      %dma_wait3A_275 = tpu.memref_slice %arg9[%dma_wait3A_272, %dma_wait3A_273, %dma_wait3A_274] : memref<5x80x16xf32, #tpu.memory_space<vmem>> -> memref<1x80x16xf32, #tpu.memory_space<vmem>>
      %dma_wait3A_276 = tpu.memref_squeeze %dma_wait3A_275 : memref<1x80x16xf32, #tpu.memory_space<vmem>> -> memref<80x16xf32, #tpu.memory_space<vmem>>
      %dma_wait3A_277 = arith.constant 0 : i32
      %dma_wait3A_278 = tpu.memref_slice %arg8[%add3A_249, %dma_wait3A_277] : memref<125x80xi32, #tpu.memory_space<vmem>> -> memref<1x80xi32, #tpu.memory_space<vmem>>
      %dma_wait3A_279 = tpu.memref_squeeze %dma_wait3A_278 : memref<1x80xi32, #tpu.memory_space<vmem>> -> memref<80xi32, #tpu.memory_space<vmem>>
      %dma_wait3A_280 = arith.constant 0 : i32
      %dma_wait3A_281 = arith.constant 0 : i32
      %dma_wait3A_282 = tpu.memref_slice %arg10[%dma_wait3A_280, %dma_wait3A_281] : memref<10112x16xf32, #tpu.memory_space<vmem_shared>> -> memref<10112x16xf32, #tpu.memory_space<vmem_shared>>
      tpu.wait_indirect_dma semaphore(%arg13 : memref<!tpu.dma_semaphore, #tpu.memory_space<semaphore_mem>>) src(%dma_wait3A_276 : memref<80x16xf32, #tpu.memory_space<vmem>>) dst(%dma_wait3A_282 : memref<10112x16xf32, #tpu.memory_space<vmem_shared>>)
      %lt3A_283 = arith.constant 24 : i32
      %lt3A_284 = arith.cmpi slt, %add3A_81, %lt3A_283 : i32
      %convert_element_type3A_285 = arith.extui %lt3A_284 : i1 to i32
      %cond3A_286 = arith.constant 0 : i32
      %cond3A_287 = arith.cmpi ne, %convert_element_type3A_285, %cond3A_286 : i32
      scf.if %cond3A_287 {
        %add3A_288 = arith.constant 5 : i32
        %add3A_289 = arith.addi %add3A_249, %add3A_288 : i32
        %dma_start3A_290 = arith.constant 4 : i32
        %dma_start3A_291 = arith.constant 0 : i32
        %dma_start3A_292 = arith.constant 0 : i32
        %dma_start3A_293 = tpu.memref_slice %arg9[%dma_start3A_290, %dma_start3A_291, %dma_start3A_292] : memref<5x80x16xf32, #tpu.memory_space<vmem>> -> memref<1x80x16xf32, #tpu.memory_space<vmem>>
        %dma_start3A_294 = tpu.memref_squeeze %dma_start3A_293 : memref<1x80x16xf32, #tpu.memory_space<vmem>> -> memref<80x16xf32, #tpu.memory_space<vmem>>
        %dma_start3A_295 = arith.constant 0 : i32
        %dma_start3A_296 = tpu.memref_slice %arg7[%add3A_289, %dma_start3A_295] : memref<125x80xi32, #tpu.memory_space<vmem>> -> memref<1x80xi32, #tpu.memory_space<vmem>>
        %dma_start3A_297 = tpu.memref_squeeze %dma_start3A_296 : memref<1x80xi32, #tpu.memory_space<vmem>> -> memref<80xi32, #tpu.memory_space<vmem>>
        %dma_start3A_298 = arith.constant 0 : i32
        %dma_start3A_299 = arith.constant 0 : i32
        %dma_start3A_300 = tpu.memref_slice %arg11[%dma_start3A_298, %dma_start3A_299] : memref<10112x16xf32, #tpu.memory_space<vmem_shared>> -> memref<10112x16xf32, #tpu.memory_space<vmem_shared>>
        tpu.enqueue_indirect_dma source(%dma_start3A_300 : memref<10112x16xf32, #tpu.memory_space<vmem_shared>>) target(%dma_start3A_294 : memref<80x16xf32, #tpu.memory_space<vmem>>) offsets(%dma_start3A_297 : memref<80xi32, #tpu.memory_space<vmem>>) semaphore(%arg12 : memref<!tpu.dma_semaphore, #tpu.memory_space<semaphore_mem>>)
      } else {
      }
    }
    %scan3A_71 = arith.constant 25 : i32
    %barrier3A_72 = arith.constant 0 : index
    tpu.barrier barrier_id(%barrier3A_72)
    %mul3A_73 = arith.constant 632 : i32
    %mul3A_74 = arith.muli %arg1, %mul3A_73 : i32
    %mul3A_75 = arith.constant 632 : i32
    %mul3A_76 = arith.muli %arg1, %mul3A_75 : i32
    "tpu.region"() ({
      %run_scoped3A = tpu.sem_alloc : memref<!tpu.dma_semaphore, #tpu.memory_space<semaphore_mem>>
      %dma_start3A_77 = arith.constant 0 : i32
      %dma_start3A_78 = tpu.memref_slice %arg6[%arg0, %mul3A_76, %dma_start3A_77] : memref<2x10112x16xf32, #tpu.memory_space<hbm>> -> memref<1x632x16xf32, #tpu.memory_space<hbm>>
      %dma_start3A_79 = tpu.memref_squeeze %dma_start3A_78 : memref<1x632x16xf32, #tpu.memory_space<hbm>> -> memref<632x16xf32, #tpu.memory_space<hbm>>
      %dma_start3A_80 = arith.constant 0 : i32
      %dma_start3A_81 = tpu.memref_slice %arg10[%mul3A_74, %dma_start3A_80] : memref<10112x16xf32, #tpu.memory_space<vmem_shared>> -> memref<632x16xf32, #tpu.memory_space<vmem_shared>>
      tpu.enqueue_dma source(%dma_start3A_81 : memref<632x16xf32, #tpu.memory_space<vmem_shared>>) target(%dma_start3A_79 : memref<632x16xf32, #tpu.memory_space<hbm>>) target_semaphore(%run_scoped3A : memref<!tpu.dma_semaphore, #tpu.memory_space<semaphore_mem>>)
      %dma_wait3A = arith.constant 0 : i32
      %dma_wait3A_82 = tpu.memref_slice %arg6[%arg0, %mul3A_76, %dma_wait3A] : memref<2x10112x16xf32, #tpu.memory_space<hbm>> -> memref<1x632x16xf32, #tpu.memory_space<hbm>>
      %dma_wait3A_83 = tpu.memref_squeeze %dma_wait3A_82 : memref<1x632x16xf32, #tpu.memory_space<hbm>> -> memref<632x16xf32, #tpu.memory_space<hbm>>
      %dma_wait3A_84 = arith.constant 0 : i32
      %dma_wait3A_85 = tpu.memref_slice %arg10[%mul3A_74, %dma_wait3A_84] : memref<10112x16xf32, #tpu.memory_space<vmem_shared>> -> memref<632x16xf32, #tpu.memory_space<vmem_shared>>
      tpu.wait_dma2 semaphore(%run_scoped3A : memref<!tpu.dma_semaphore, #tpu.memory_space<semaphore_mem>>) src(%dma_wait3A_85 : memref<632x16xf32, #tpu.memory_space<vmem_shared>>) dst(%dma_wait3A_83 : memref<632x16xf32, #tpu.memory_space<hbm>>)
      tpu.yield
    }) : () -> ()
    return
  }
}

#map = affine_map<(d0, d1) -> (0, 0, 0)>
#map1 = affine_map<(d0, d1) -> (0, 0)>
module attributes {stable_mosaic.version = 14 : i64} {
  func.func @deg_kernel(%arg0: i32, %arg1: i32, %arg2: memref<32x125x80xi32, #tpu.memory_space<hbm>>, %arg3: memref<10112x16xf32, #tpu.memory_space<hbm>>, %arg4: memref<80x16xf32, #tpu.memory_space<hbm>>, %arg5: memref<2x10112x16xf32, #tpu.memory_space<hbm>>, %arg6: memref<125x80xi32, #tpu.memory_space<vmem>>, %arg7: memref<80x16xf32, #tpu.memory_space<vmem>>, %arg8: memref<10112x16xf32, #tpu.memory_space<vmem_shared>>) attributes {dimension_semantics = [#tpu.dimension_semantics<core_parallel>, #tpu.dimension_semantics<subcore_parallel>], iteration_bounds = array<i64: 2, 16>, scalar_prefetch = 0 : i64, scratch_operands = 3 : i64, tpu.core_type = #tpu.core_type<sc_vector_subcore>, window_params = [{transform_indices = #map}, {transform_indices = #map1}, {transform_indices = #map1}, {transform_indices = #map}]} {
    %mul3A = arith.constant 2 : i32
    %mul3A_0 = arith.muli %arg1, %mul3A : i32
    %add3A = arith.addi %mul3A_0, %arg0 : i32
    "tpu.region"() ({
      %run_scoped3A = tpu.sem_alloc : memref<!tpu.dma_semaphore, #tpu.memory_space<semaphore_mem>>
      tpu.enqueue_dma source(%arg4 : memref<80x16xf32, #tpu.memory_space<hbm>>) target(%arg7 : memref<80x16xf32, #tpu.memory_space<vmem>>) target_semaphore(%run_scoped3A : memref<!tpu.dma_semaphore, #tpu.memory_space<semaphore_mem>>)
      tpu.wait_dma2 semaphore(%run_scoped3A : memref<!tpu.dma_semaphore, #tpu.memory_space<semaphore_mem>>) src(%arg4 : memref<80x16xf32, #tpu.memory_space<hbm>>) dst(%arg7 : memref<80x16xf32, #tpu.memory_space<vmem>>)
      tpu.yield
    }) : () -> ()
    %mul3A_1 = arith.constant 632 : i32
    %mul3A_2 = arith.muli %arg1, %mul3A_1 : i32
    %mul3A_3 = arith.constant 632 : i32
    %mul3A_4 = arith.muli %arg1, %mul3A_3 : i32
    "tpu.region"() ({
      %run_scoped3A = tpu.sem_alloc : memref<!tpu.dma_semaphore, #tpu.memory_space<semaphore_mem>>
      %dma_start3A = arith.constant 0 : i32
      %dma_start3A_14 = tpu.memref_slice %arg8[%mul3A_4, %dma_start3A] : memref<10112x16xf32, #tpu.memory_space<vmem_shared>> -> memref<632x16xf32, #tpu.memory_space<vmem_shared>>
      %dma_start3A_15 = arith.constant 0 : i32
      %dma_start3A_16 = tpu.memref_slice %arg3[%mul3A_2, %dma_start3A_15] : memref<10112x16xf32, #tpu.memory_space<hbm>> -> memref<632x16xf32, #tpu.memory_space<hbm>>
      tpu.enqueue_dma source(%dma_start3A_16 : memref<632x16xf32, #tpu.memory_space<hbm>>) target(%dma_start3A_14 : memref<632x16xf32, #tpu.memory_space<vmem_shared>>) target_semaphore(%run_scoped3A : memref<!tpu.dma_semaphore, #tpu.memory_space<semaphore_mem>>)
      %dma_wait3A = arith.constant 0 : i32
      %dma_wait3A_17 = tpu.memref_slice %arg8[%mul3A_4, %dma_wait3A] : memref<10112x16xf32, #tpu.memory_space<vmem_shared>> -> memref<632x16xf32, #tpu.memory_space<vmem_shared>>
      %dma_wait3A_18 = arith.constant 0 : i32
      %dma_wait3A_19 = tpu.memref_slice %arg3[%mul3A_2, %dma_wait3A_18] : memref<10112x16xf32, #tpu.memory_space<hbm>> -> memref<632x16xf32, #tpu.memory_space<hbm>>
      tpu.wait_dma2 semaphore(%run_scoped3A : memref<!tpu.dma_semaphore, #tpu.memory_space<semaphore_mem>>) src(%dma_wait3A_19 : memref<632x16xf32, #tpu.memory_space<hbm>>) dst(%dma_wait3A_17 : memref<632x16xf32, #tpu.memory_space<vmem_shared>>)
      tpu.yield
    }) : () -> ()
    %barrier3A = arith.constant 0 : index
    tpu.barrier barrier_id(%barrier3A)
    "tpu.region"() ({
      %run_scoped3A = tpu.sem_alloc : memref<!tpu.dma_semaphore, #tpu.memory_space<semaphore_mem>>
      %dma_start3A = arith.constant 0 : i32
      %dma_start3A_14 = arith.constant 0 : i32
      %dma_start3A_15 = tpu.memref_slice %arg2[%add3A, %dma_start3A, %dma_start3A_14] : memref<32x125x80xi32, #tpu.memory_space<hbm>> -> memref<1x125x80xi32, #tpu.memory_space<hbm>>
      %dma_start3A_16 = tpu.memref_squeeze %dma_start3A_15 : memref<1x125x80xi32, #tpu.memory_space<hbm>> -> memref<125x80xi32, #tpu.memory_space<hbm>>
      %dma_start3A_17 = arith.constant 0 : i32
      %dma_start3A_18 = arith.constant 0 : i32
      %dma_start3A_19 = tpu.memref_slice %arg2[%add3A, %dma_start3A_17, %dma_start3A_18] : memref<32x125x80xi32, #tpu.memory_space<hbm>> -> memref<1x125x80xi32, #tpu.memory_space<hbm>>
      %dma_start3A_20 = tpu.memref_squeeze %dma_start3A_19 : memref<1x125x80xi32, #tpu.memory_space<hbm>> -> memref<125x80xi32, #tpu.memory_space<hbm>>
      tpu.enqueue_dma source(%dma_start3A_20 : memref<125x80xi32, #tpu.memory_space<hbm>>) target(%arg6 : memref<125x80xi32, #tpu.memory_space<vmem>>) target_semaphore(%run_scoped3A : memref<!tpu.dma_semaphore, #tpu.memory_space<semaphore_mem>>)
      %dma_wait3A = arith.constant 0 : i32
      %dma_wait3A_21 = arith.constant 0 : i32
      %dma_wait3A_22 = tpu.memref_slice %arg2[%add3A, %dma_wait3A, %dma_wait3A_21] : memref<32x125x80xi32, #tpu.memory_space<hbm>> -> memref<1x125x80xi32, #tpu.memory_space<hbm>>
      %dma_wait3A_23 = tpu.memref_squeeze %dma_wait3A_22 : memref<1x125x80xi32, #tpu.memory_space<hbm>> -> memref<125x80xi32, #tpu.memory_space<hbm>>
      %dma_wait3A_24 = arith.constant 0 : i32
      %dma_wait3A_25 = arith.constant 0 : i32
      %dma_wait3A_26 = tpu.memref_slice %arg2[%add3A, %dma_wait3A_24, %dma_wait3A_25] : memref<32x125x80xi32, #tpu.memory_space<hbm>> -> memref<1x125x80xi32, #tpu.memory_space<hbm>>
      %dma_wait3A_27 = tpu.memref_squeeze %dma_wait3A_26 : memref<1x125x80xi32, #tpu.memory_space<hbm>> -> memref<125x80xi32, #tpu.memory_space<hbm>>
      tpu.wait_dma2 semaphore(%run_scoped3A : memref<!tpu.dma_semaphore, #tpu.memory_space<semaphore_mem>>) src(%dma_wait3A_27 : memref<125x80xi32, #tpu.memory_space<hbm>>) dst(%arg6 : memref<125x80xi32, #tpu.memory_space<vmem>>)
      tpu.yield
    }) : () -> ()
    %scan3A = arith.constant 0 : i32
    %scan3A_5 = arith.constant 125 : i32
    %scan3A_6 = arith.addi %scan3A, %scan3A_5 : i32
    %scan3A_7 = arith.constant 1 : i32
    scf.for %scan3A_14 = %scan3A to %scan3A_6 step %scan3A_7  : i32 {
      %mul3A_15 = arith.constant 1 : i32
      %mul3A_16 = arith.muli %scan3A_14, %mul3A_15 : i32
      %add3A_17 = arith.constant 0 : i32
      %add3A_18 = arith.addi %add3A_17, %mul3A_16 : i32
      "tpu.region"() ({
        %run_scoped3A = tpu.sem_alloc : memref<!tpu.dma_semaphore, #tpu.memory_space<semaphore_mem>>
        %dma_start3A = arith.constant 0 : i32
        %dma_start3A_19 = tpu.memref_slice %arg6[%add3A_18, %dma_start3A] : memref<125x80xi32, #tpu.memory_space<vmem>> -> memref<1x80xi32, #tpu.memory_space<vmem>>
        %dma_start3A_20 = tpu.memref_squeeze %dma_start3A_19 : memref<1x80xi32, #tpu.memory_space<vmem>> -> memref<80xi32, #tpu.memory_space<vmem>>
        %dma_start3A_21 = arith.constant 0 : i32
        %dma_start3A_22 = arith.constant 0 : i32
        %dma_start3A_23 = tpu.memref_slice %arg8[%dma_start3A_21, %dma_start3A_22] : memref<10112x16xf32, #tpu.memory_space<vmem_shared>> -> memref<10112x16xf32, #tpu.memory_space<vmem_shared>>
        tpu.enqueue_indirect_dma source(%arg7 : memref<80x16xf32, #tpu.memory_space<vmem>>) target(%dma_start3A_23 : memref<10112x16xf32, #tpu.memory_space<vmem_shared>>) offsets(%dma_start3A_20 : memref<80xi32, #tpu.memory_space<vmem>>) semaphore(%run_scoped3A : memref<!tpu.dma_semaphore, #tpu.memory_space<semaphore_mem>>) {add = true}
        %dma_wait3A = arith.constant 0 : i32
        %dma_wait3A_24 = tpu.memref_slice %arg6[%add3A_18, %dma_wait3A] : memref<125x80xi32, #tpu.memory_space<vmem>> -> memref<1x80xi32, #tpu.memory_space<vmem>>
        %dma_wait3A_25 = tpu.memref_squeeze %dma_wait3A_24 : memref<1x80xi32, #tpu.memory_space<vmem>> -> memref<80xi32, #tpu.memory_space<vmem>>
        %dma_wait3A_26 = arith.constant 0 : i32
        %dma_wait3A_27 = arith.constant 0 : i32
        %dma_wait3A_28 = tpu.memref_slice %arg8[%dma_wait3A_26, %dma_wait3A_27] : memref<10112x16xf32, #tpu.memory_space<vmem_shared>> -> memref<10112x16xf32, #tpu.memory_space<vmem_shared>>
        tpu.wait_indirect_dma semaphore(%run_scoped3A : memref<!tpu.dma_semaphore, #tpu.memory_space<semaphore_mem>>) src(%arg7 : memref<80x16xf32, #tpu.memory_space<vmem>>) dst(%dma_wait3A_28 : memref<10112x16xf32, #tpu.memory_space<vmem_shared>>)
        tpu.yield
      }) : () -> ()
    }
    %scan3A_8 = arith.constant 125 : i32
    %barrier3A_9 = arith.constant 0 : index
    tpu.barrier barrier_id(%barrier3A_9)
    %mul3A_10 = arith.constant 632 : i32
    %mul3A_11 = arith.muli %arg1, %mul3A_10 : i32
    %mul3A_12 = arith.constant 632 : i32
    %mul3A_13 = arith.muli %arg1, %mul3A_12 : i32
    "tpu.region"() ({
      %run_scoped3A = tpu.sem_alloc : memref<!tpu.dma_semaphore, #tpu.memory_space<semaphore_mem>>
      %dma_start3A = arith.constant 0 : i32
      %dma_start3A_14 = tpu.memref_slice %arg5[%arg0, %mul3A_13, %dma_start3A] : memref<2x10112x16xf32, #tpu.memory_space<hbm>> -> memref<1x632x16xf32, #tpu.memory_space<hbm>>
      %dma_start3A_15 = tpu.memref_squeeze %dma_start3A_14 : memref<1x632x16xf32, #tpu.memory_space<hbm>> -> memref<632x16xf32, #tpu.memory_space<hbm>>
      %dma_start3A_16 = arith.constant 0 : i32
      %dma_start3A_17 = tpu.memref_slice %arg8[%mul3A_11, %dma_start3A_16] : memref<10112x16xf32, #tpu.memory_space<vmem_shared>> -> memref<632x16xf32, #tpu.memory_space<vmem_shared>>
      tpu.enqueue_dma source(%dma_start3A_17 : memref<632x16xf32, #tpu.memory_space<vmem_shared>>) target(%dma_start3A_15 : memref<632x16xf32, #tpu.memory_space<hbm>>) target_semaphore(%run_scoped3A : memref<!tpu.dma_semaphore, #tpu.memory_space<semaphore_mem>>)
      %dma_wait3A = arith.constant 0 : i32
      %dma_wait3A_18 = tpu.memref_slice %arg5[%arg0, %mul3A_13, %dma_wait3A] : memref<2x10112x16xf32, #tpu.memory_space<hbm>> -> memref<1x632x16xf32, #tpu.memory_space<hbm>>
      %dma_wait3A_19 = tpu.memref_squeeze %dma_wait3A_18 : memref<1x632x16xf32, #tpu.memory_space<hbm>> -> memref<632x16xf32, #tpu.memory_space<hbm>>
      %dma_wait3A_20 = arith.constant 0 : i32
      %dma_wait3A_21 = tpu.memref_slice %arg8[%mul3A_11, %dma_wait3A_20] : memref<10112x16xf32, #tpu.memory_space<vmem_shared>> -> memref<632x16xf32, #tpu.memory_space<vmem_shared>>
      tpu.wait_dma2 semaphore(%run_scoped3A : memref<!tpu.dma_semaphore, #tpu.memory_space<semaphore_mem>>) src(%dma_wait3A_21 : memref<632x16xf32, #tpu.memory_space<vmem_shared>>) dst(%dma_wait3A_19 : memref<632x16xf32, #tpu.memory_space<hbm>>)
      tpu.yield
    }) : () -> ()
    return
  }
}

#map = affine_map<(d0, d1) -> (0, 0, 0)>
#map1 = affine_map<(d0, d1) -> (0, 0)>
module attributes {stable_mosaic.version = 14 : i64} {
  func.func @seg_kernel(%arg0: i32, %arg1: i32, %arg2: memref<32x125x80xi32, #tpu.memory_space<hbm>>, %arg3: memref<32x125x80xi32, #tpu.memory_space<hbm>>, %arg4: memref<10112x16xf32, #tpu.memory_space<hbm>>, %arg5: memref<10112x16xf32, #tpu.memory_space<hbm>>, %arg6: memref<2x10112x16xf32, #tpu.memory_space<hbm>>, %arg7: memref<125x80xi32, #tpu.memory_space<vmem>>, %arg8: memref<125x80xi32, #tpu.memory_space<vmem>>, %arg9: memref<5x80x16xf32, #tpu.memory_space<vmem>>, %arg10: memref<10112x16xf32, #tpu.memory_space<vmem_shared>>, %arg11: memref<10112x16xf32, #tpu.memory_space<vmem_shared>>, %arg12: memref<!tpu.dma_semaphore, #tpu.memory_space<semaphore_mem>>, %arg13: memref<!tpu.dma_semaphore, #tpu.memory_space<semaphore_mem>>) attributes {dimension_semantics = [#tpu.dimension_semantics<core_parallel>, #tpu.dimension_semantics<subcore_parallel>], iteration_bounds = array<i64: 2, 16>, scalar_prefetch = 0 : i64, scratch_operands = 7 : i64, tpu.core_type = #tpu.core_type<sc_vector_subcore>, window_params = [{transform_indices = #map}, {transform_indices = #map}, {transform_indices = #map1}, {transform_indices = #map1}, {transform_indices = #map}]} {
    %mul3A = arith.constant 2 : i32
    %mul3A_0 = arith.muli %arg1, %mul3A : i32
    %add3A = arith.addi %mul3A_0, %arg0 : i32
    %mul3A_1 = arith.constant 632 : i32
    %mul3A_2 = arith.muli %arg1, %mul3A_1 : i32
    %mul3A_3 = arith.constant 632 : i32
    %mul3A_4 = arith.muli %arg1, %mul3A_3 : i32
    "tpu.region"() ({
      %run_scoped3A = tpu.sem_alloc : memref<!tpu.dma_semaphore, #tpu.memory_space<semaphore_mem>>
      %dma_start3A_77 = arith.constant 0 : i32
      %dma_start3A_78 = tpu.memref_slice %arg10[%mul3A_4, %dma_start3A_77] : memref<10112x16xf32, #tpu.memory_space<vmem_shared>> -> memref<632x16xf32, #tpu.memory_space<vmem_shared>>
      %dma_start3A_79 = arith.constant 0 : i32
      %dma_start3A_80 = tpu.memref_slice %arg5[%mul3A_2, %dma_start3A_79] : memref<10112x16xf32, #tpu.memory_space<hbm>> -> memref<632x16xf32, #tpu.memory_space<hbm>>
      tpu.enqueue_dma source(%dma_start3A_80 : memref<632x16xf32, #tpu.memory_space<hbm>>) target(%dma_start3A_78 : memref<632x16xf32, #tpu.memory_space<vmem_shared>>) target_semaphore(%run_scoped3A : memref<!tpu.dma_semaphore, #tpu.memory_space<semaphore_mem>>)
      %dma_wait3A = arith.constant 0 : i32
      %dma_wait3A_81 = tpu.memref_slice %arg10[%mul3A_4, %dma_wait3A] : memref<10112x16xf32, #tpu.memory_space<vmem_shared>> -> memref<632x16xf32, #tpu.memory_space<vmem_shared>>
      %dma_wait3A_82 = arith.constant 0 : i32
      %dma_wait3A_83 = tpu.memref_slice %arg5[%mul3A_2, %dma_wait3A_82] : memref<10112x16xf32, #tpu.memory_space<hbm>> -> memref<632x16xf32, #tpu.memory_space<hbm>>
      tpu.wait_dma2 semaphore(%run_scoped3A : memref<!tpu.dma_semaphore, #tpu.memory_space<semaphore_mem>>) src(%dma_wait3A_83 : memref<632x16xf32, #tpu.memory_space<hbm>>) dst(%dma_wait3A_81 : memref<632x16xf32, #tpu.memory_space<vmem_shared>>)
      tpu.yield
    }) : () -> ()
    %mul3A_5 = arith.constant 632 : i32
    %mul3A_6 = arith.muli %arg1, %mul3A_5 : i32
    %mul3A_7 = arith.constant 632 : i32
    %mul3A_8 = arith.muli %arg1, %mul3A_7 : i32
    "tpu.region"() ({
      %run_scoped3A = tpu.sem_alloc : memref<!tpu.dma_semaphore, #tpu.memory_space<semaphore_mem>>
      %dma_start3A_77 = arith.constant 0 : i32
      %dma_start3A_78 = tpu.memref_slice %arg11[%mul3A_8, %dma_start3A_77] : memref<10112x16xf32, #tpu.memory_space<vmem_shared>> -> memref<632x16xf32, #tpu.memory_space<vmem_shared>>
      %dma_start3A_79 = arith.constant 0 : i32
      %dma_start3A_80 = tpu.memref_slice %arg4[%mul3A_6, %dma_start3A_79] : memref<10112x16xf32, #tpu.memory_space<hbm>> -> memref<632x16xf32, #tpu.memory_space<hbm>>
      tpu.enqueue_dma source(%dma_start3A_80 : memref<632x16xf32, #tpu.memory_space<hbm>>) target(%dma_start3A_78 : memref<632x16xf32, #tpu.memory_space<vmem_shared>>) target_semaphore(%run_scoped3A : memref<!tpu.dma_semaphore, #tpu.memory_space<semaphore_mem>>)
      %dma_wait3A = arith.constant 0 : i32
      %dma_wait3A_81 = tpu.memref_slice %arg11[%mul3A_8, %dma_wait3A] : memref<10112x16xf32, #tpu.memory_space<vmem_shared>> -> memref<632x16xf32, #tpu.memory_space<vmem_shared>>
      %dma_wait3A_82 = arith.constant 0 : i32
      %dma_wait3A_83 = tpu.memref_slice %arg4[%mul3A_6, %dma_wait3A_82] : memref<10112x16xf32, #tpu.memory_space<hbm>> -> memref<632x16xf32, #tpu.memory_space<hbm>>
      tpu.wait_dma2 semaphore(%run_scoped3A : memref<!tpu.dma_semaphore, #tpu.memory_space<semaphore_mem>>) src(%dma_wait3A_83 : memref<632x16xf32, #tpu.memory_space<hbm>>) dst(%dma_wait3A_81 : memref<632x16xf32, #tpu.memory_space<vmem_shared>>)
      tpu.yield
    }) : () -> ()
    %barrier3A = arith.constant 0 : index
    tpu.barrier barrier_id(%barrier3A)
    "tpu.region"() ({
      %run_scoped3A = tpu.sem_alloc : memref<!tpu.dma_semaphore, #tpu.memory_space<semaphore_mem>>
      %dma_start3A_77 = arith.constant 0 : i32
      %dma_start3A_78 = arith.constant 0 : i32
      %dma_start3A_79 = tpu.memref_slice %arg2[%add3A, %dma_start3A_77, %dma_start3A_78] : memref<32x125x80xi32, #tpu.memory_space<hbm>> -> memref<1x125x80xi32, #tpu.memory_space<hbm>>
      %dma_start3A_80 = tpu.memref_squeeze %dma_start3A_79 : memref<1x125x80xi32, #tpu.memory_space<hbm>> -> memref<125x80xi32, #tpu.memory_space<hbm>>
      %dma_start3A_81 = arith.constant 0 : i32
      %dma_start3A_82 = arith.constant 0 : i32
      %dma_start3A_83 = tpu.memref_slice %arg2[%add3A, %dma_start3A_81, %dma_start3A_82] : memref<32x125x80xi32, #tpu.memory_space<hbm>> -> memref<1x125x80xi32, #tpu.memory_space<hbm>>
      %dma_start3A_84 = tpu.memref_squeeze %dma_start3A_83 : memref<1x125x80xi32, #tpu.memory_space<hbm>> -> memref<125x80xi32, #tpu.memory_space<hbm>>
      tpu.enqueue_dma source(%dma_start3A_84 : memref<125x80xi32, #tpu.memory_space<hbm>>) target(%arg7 : memref<125x80xi32, #tpu.memory_space<vmem>>) target_semaphore(%run_scoped3A : memref<!tpu.dma_semaphore, #tpu.memory_space<semaphore_mem>>)
      %dma_wait3A = arith.constant 0 : i32
      %dma_wait3A_85 = arith.constant 0 : i32
      %dma_wait3A_86 = tpu.memref_slice %arg2[%add3A, %dma_wait3A, %dma_wait3A_85] : memref<32x125x80xi32, #tpu.memory_space<hbm>> -> memref<1x125x80xi32, #tpu.memory_space<hbm>>
      %dma_wait3A_87 = tpu.memref_squeeze %dma_wait3A_86 : memref<1x125x80xi32, #tpu.memory_space<hbm>> -> memref<125x80xi32, #tpu.memory_space<hbm>>
      %dma_wait3A_88 = arith.constant 0 : i32
      %dma_wait3A_89 = arith.constant 0 : i32
      %dma_wait3A_90 = tpu.memref_slice %arg2[%add3A, %dma_wait3A_88, %dma_wait3A_89] : memref<32x125x80xi32, #tpu.memory_space<hbm>> -> memref<1x125x80xi32, #tpu.memory_space<hbm>>
      %dma_wait3A_91 = tpu.memref_squeeze %dma_wait3A_90 : memref<1x125x80xi32, #tpu.memory_space<hbm>> -> memref<125x80xi32, #tpu.memory_space<hbm>>
      tpu.wait_dma2 semaphore(%run_scoped3A : memref<!tpu.dma_semaphore, #tpu.memory_space<semaphore_mem>>) src(%dma_wait3A_91 : memref<125x80xi32, #tpu.memory_space<hbm>>) dst(%arg7 : memref<125x80xi32, #tpu.memory_space<vmem>>)
      tpu.yield
    }) : () -> ()
    "tpu.region"() ({
      %run_scoped3A = tpu.sem_alloc : memref<!tpu.dma_semaphore, #tpu.memory_space<semaphore_mem>>
      %dma_start3A_77 = arith.constant 0 : i32
      %dma_start3A_78 = arith.constant 0 : i32
      %dma_start3A_79 = tpu.memref_slice %arg3[%add3A, %dma_start3A_77, %dma_start3A_78] : memref<32x125x80xi32, #tpu.memory_space<hbm>> -> memref<1x125x80xi32, #tpu.memory_space<hbm>>
      %dma_start3A_80 = tpu.memref_squeeze %dma_start3A_79 : memref<1x125x80xi32, #tpu.memory_space<hbm>> -> memref<125x80xi32, #tpu.memory_space<hbm>>
      %dma_start3A_81 = arith.constant 0 : i32
      %dma_start3A_82 = arith.constant 0 : i32
      %dma_start3A_83 = tpu.memref_slice %arg3[%add3A, %dma_start3A_81, %dma_start3A_82] : memref<32x125x80xi32, #tpu.memory_space<hbm>> -> memref<1x125x80xi32, #tpu.memory_space<hbm>>
      %dma_start3A_84 = tpu.memref_squeeze %dma_start3A_83 : memref<1x125x80xi32, #tpu.memory_space<hbm>> -> memref<125x80xi32, #tpu.memory_space<hbm>>
      tpu.enqueue_dma source(%dma_start3A_84 : memref<125x80xi32, #tpu.memory_space<hbm>>) target(%arg8 : memref<125x80xi32, #tpu.memory_space<vmem>>) target_semaphore(%run_scoped3A : memref<!tpu.dma_semaphore, #tpu.memory_space<semaphore_mem>>)
      %dma_wait3A = arith.constant 0 : i32
      %dma_wait3A_85 = arith.constant 0 : i32
      %dma_wait3A_86 = tpu.memref_slice %arg3[%add3A, %dma_wait3A, %dma_wait3A_85] : memref<32x125x80xi32, #tpu.memory_space<hbm>> -> memref<1x125x80xi32, #tpu.memory_space<hbm>>
      %dma_wait3A_87 = tpu.memref_squeeze %dma_wait3A_86 : memref<1x125x80xi32, #tpu.memory_space<hbm>> -> memref<125x80xi32, #tpu.memory_space<hbm>>
      %dma_wait3A_88 = arith.constant 0 : i32
      %dma_wait3A_89 = arith.constant 0 : i32
      %dma_wait3A_90 = tpu.memref_slice %arg3[%add3A, %dma_wait3A_88, %dma_wait3A_89] : memref<32x125x80xi32, #tpu.memory_space<hbm>> -> memref<1x125x80xi32, #tpu.memory_space<hbm>>
      %dma_wait3A_91 = tpu.memref_squeeze %dma_wait3A_90 : memref<1x125x80xi32, #tpu.memory_space<hbm>> -> memref<125x80xi32, #tpu.memory_space<hbm>>
      tpu.wait_dma2 semaphore(%run_scoped3A : memref<!tpu.dma_semaphore, #tpu.memory_space<semaphore_mem>>) src(%dma_wait3A_91 : memref<125x80xi32, #tpu.memory_space<hbm>>) dst(%arg8 : memref<125x80xi32, #tpu.memory_space<vmem>>)
      tpu.yield
    }) : () -> ()
    %dma_start3A = arith.constant 0 : i32
    %dma_start3A_9 = arith.constant 0 : i32
    %dma_start3A_10 = arith.constant 0 : i32
    %dma_start3A_11 = arith.constant 0 : i32
    %dma_start3A_12 = tpu.memref_slice %arg9[%dma_start3A_9, %dma_start3A_10, %dma_start3A_11] : memref<5x80x16xf32, #tpu.memory_space<vmem>> -> memref<1x80x16xf32, #tpu.memory_space<vmem>>
    %dma_start3A_13 = tpu.memref_squeeze %dma_start3A_12 : memref<1x80x16xf32, #tpu.memory_space<vmem>> -> memref<80x16xf32, #tpu.memory_space<vmem>>
    %dma_start3A_14 = arith.constant 0 : i32
    %dma_start3A_15 = tpu.memref_slice %arg7[%dma_start3A, %dma_start3A_14] : memref<125x80xi32, #tpu.memory_space<vmem>> -> memref<1x80xi32, #tpu.memory_space<vmem>>
    %dma_start3A_16 = tpu.memref_squeeze %dma_start3A_15 : memref<1x80xi32, #tpu.memory_space<vmem>> -> memref<80xi32, #tpu.memory_space<vmem>>
    %dma_start3A_17 = arith.constant 0 : i32
    %dma_start3A_18 = arith.constant 0 : i32
    %dma_start3A_19 = tpu.memref_slice %arg11[%dma_start3A_17, %dma_start3A_18] : memref<10112x16xf32, #tpu.memory_space<vmem_shared>> -> memref<10112x16xf32, #tpu.memory_space<vmem_shared>>
    tpu.enqueue_indirect_dma source(%dma_start3A_19 : memref<10112x16xf32, #tpu.memory_space<vmem_shared>>) target(%dma_start3A_13 : memref<80x16xf32, #tpu.memory_space<vmem>>) offsets(%dma_start3A_16 : memref<80xi32, #tpu.memory_space<vmem>>) semaphore(%arg12 : memref<!tpu.dma_semaphore, #tpu.memory_space<semaphore_mem>>)
    %dma_start3A_20 = arith.constant 1 : i32
    %dma_start3A_21 = arith.constant 1 : i32
    %dma_start3A_22 = arith.constant 0 : i32
    %dma_start3A_23 = arith.constant 0 : i32
    %dma_start3A_24 = tpu.memref_slice %arg9[%dma_start3A_21, %dma_start3A_22, %dma_start3A_23] : memref<5x80x16xf32, #tpu.memory_space<vmem>> -> memref<1x80x16xf32, #tpu.memory_space<vmem>>
    %dma_start3A_25 = tpu.memref_squeeze %dma_start3A_24 : memref<1x80x16xf32, #tpu.memory_space<vmem>> -> memref<80x16xf32, #tpu.memory_space<vmem>>
    %dma_start3A_26 = arith.constant 0 : i32
    %dma_start3A_27 = tpu.memref_slice %arg7[%dma_start3A_20, %dma_start3A_26] : memref<125x80xi32, #tpu.memory_space<vmem>> -> memref<1x80xi32, #tpu.memory_space<vmem>>
    %dma_start3A_28 = tpu.memref_squeeze %dma_start3A_27 : memref<1x80xi32, #tpu.memory_space<vmem>> -> memref<80xi32, #tpu.memory_space<vmem>>
    %dma_start3A_29 = arith.constant 0 : i32
    %dma_start3A_30 = arith.constant 0 : i32
    %dma_start3A_31 = tpu.memref_slice %arg11[%dma_start3A_29, %dma_start3A_30] : memref<10112x16xf32, #tpu.memory_space<vmem_shared>> -> memref<10112x16xf32, #tpu.memory_space<vmem_shared>>
    tpu.enqueue_indirect_dma source(%dma_start3A_31 : memref<10112x16xf32, #tpu.memory_space<vmem_shared>>) target(%dma_start3A_25 : memref<80x16xf32, #tpu.memory_space<vmem>>) offsets(%dma_start3A_28 : memref<80xi32, #tpu.memory_space<vmem>>) semaphore(%arg12 : memref<!tpu.dma_semaphore, #tpu.memory_space<semaphore_mem>>)
    %dma_start3A_32 = arith.constant 2 : i32
    %dma_start3A_33 = arith.constant 2 : i32
    %dma_start3A_34 = arith.constant 0 : i32
    %dma_start3A_35 = arith.constant 0 : i32
    %dma_start3A_36 = tpu.memref_slice %arg9[%dma_start3A_33, %dma_start3A_34, %dma_start3A_35] : memref<5x80x16xf32, #tpu.memory_space<vmem>> -> memref<1x80x16xf32, #tpu.memory_space<vmem>>
    %dma_start3A_37 = tpu.memref_squeeze %dma_start3A_36 : memref<1x80x16xf32, #tpu.memory_space<vmem>> -> memref<80x16xf32, #tpu.memory_space<vmem>>
    %dma_start3A_38 = arith.constant 0 : i32
    %dma_start3A_39 = tpu.memref_slice %arg7[%dma_start3A_32, %dma_start3A_38] : memref<125x80xi32, #tpu.memory_space<vmem>> -> memref<1x80xi32, #tpu.memory_space<vmem>>
    %dma_start3A_40 = tpu.memref_squeeze %dma_start3A_39 : memref<1x80xi32, #tpu.memory_space<vmem>> -> memref<80xi32, #tpu.memory_space<vmem>>
    %dma_start3A_41 = arith.constant 0 : i32
    %dma_start3A_42 = arith.constant 0 : i32
    %dma_start3A_43 = tpu.memref_slice %arg11[%dma_start3A_41, %dma_start3A_42] : memref<10112x16xf32, #tpu.memory_space<vmem_shared>> -> memref<10112x16xf32, #tpu.memory_space<vmem_shared>>
    tpu.enqueue_indirect_dma source(%dma_start3A_43 : memref<10112x16xf32, #tpu.memory_space<vmem_shared>>) target(%dma_start3A_37 : memref<80x16xf32, #tpu.memory_space<vmem>>) offsets(%dma_start3A_40 : memref<80xi32, #tpu.memory_space<vmem>>) semaphore(%arg12 : memref<!tpu.dma_semaphore, #tpu.memory_space<semaphore_mem>>)
    %dma_start3A_44 = arith.constant 3 : i32
    %dma_start3A_45 = arith.constant 3 : i32
    %dma_start3A_46 = arith.constant 0 : i32
    %dma_start3A_47 = arith.constant 0 : i32
    %dma_start3A_48 = tpu.memref_slice %arg9[%dma_start3A_45, %dma_start3A_46, %dma_start3A_47] : memref<5x80x16xf32, #tpu.memory_space<vmem>> -> memref<1x80x16xf32, #tpu.memory_space<vmem>>
    %dma_start3A_49 = tpu.memref_squeeze %dma_start3A_48 : memref<1x80x16xf32, #tpu.memory_space<vmem>> -> memref<80x16xf32, #tpu.memory_space<vmem>>
    %dma_start3A_50 = arith.constant 0 : i32
    %dma_start3A_51 = tpu.memref_slice %arg7[%dma_start3A_44, %dma_start3A_50] : memref<125x80xi32, #tpu.memory_space<vmem>> -> memref<1x80xi32, #tpu.memory_space<vmem>>
    %dma_start3A_52 = tpu.memref_squeeze %dma_start3A_51 : memref<1x80xi32, #tpu.memory_space<vmem>> -> memref<80xi32, #tpu.memory_space<vmem>>
    %dma_start3A_53 = arith.constant 0 : i32
    %dma_start3A_54 = arith.constant 0 : i32
    %dma_start3A_55 = tpu.memref_slice %arg11[%dma_start3A_53, %dma_start3A_54] : memref<10112x16xf32, #tpu.memory_space<vmem_shared>> -> memref<10112x16xf32, #tpu.memory_space<vmem_shared>>
    tpu.enqueue_indirect_dma source(%dma_start3A_55 : memref<10112x16xf32, #tpu.memory_space<vmem_shared>>) target(%dma_start3A_49 : memref<80x16xf32, #tpu.memory_space<vmem>>) offsets(%dma_start3A_52 : memref<80xi32, #tpu.memory_space<vmem>>) semaphore(%arg12 : memref<!tpu.dma_semaphore, #tpu.memory_space<semaphore_mem>>)
    %dma_start3A_56 = arith.constant 4 : i32
    %dma_start3A_57 = arith.constant 4 : i32
    %dma_start3A_58 = arith.constant 0 : i32
    %dma_start3A_59 = arith.constant 0 : i32
    %dma_start3A_60 = tpu.memref_slice %arg9[%dma_start3A_57, %dma_start3A_58, %dma_start3A_59] : memref<5x80x16xf32, #tpu.memory_space<vmem>> -> memref<1x80x16xf32, #tpu.memory_space<vmem>>
    %dma_start3A_61 = tpu.memref_squeeze %dma_start3A_60 : memref<1x80x16xf32, #tpu.memory_space<vmem>> -> memref<80x16xf32, #tpu.memory_space<vmem>>
    %dma_start3A_62 = arith.constant 0 : i32
    %dma_start3A_63 = tpu.memref_slice %arg7[%dma_start3A_56, %dma_start3A_62] : memref<125x80xi32, #tpu.memory_space<vmem>> -> memref<1x80xi32, #tpu.memory_space<vmem>>
    %dma_start3A_64 = tpu.memref_squeeze %dma_start3A_63 : memref<1x80xi32, #tpu.memory_space<vmem>> -> memref<80xi32, #tpu.memory_space<vmem>>
    %dma_start3A_65 = arith.constant 0 : i32
    %dma_start3A_66 = arith.constant 0 : i32
    %dma_start3A_67 = tpu.memref_slice %arg11[%dma_start3A_65, %dma_start3A_66] : memref<10112x16xf32, #tpu.memory_space<vmem_shared>> -> memref<10112x16xf32, #tpu.memory_space<vmem_shared>>
    tpu.enqueue_indirect_dma source(%dma_start3A_67 : memref<10112x16xf32, #tpu.memory_space<vmem_shared>>) target(%dma_start3A_61 : memref<80x16xf32, #tpu.memory_space<vmem>>) offsets(%dma_start3A_64 : memref<80xi32, #tpu.memory_space<vmem>>) semaphore(%arg12 : memref<!tpu.dma_semaphore, #tpu.memory_space<semaphore_mem>>)
    %scan3A = arith.constant 0 : i32
    %scan3A_68 = arith.constant 25 : i32
    %scan3A_69 = arith.addi %scan3A, %scan3A_68 : i32
    %scan3A_70 = arith.constant 1 : i32
    scf.for %scan3A_77 = %scan3A to %scan3A_69 step %scan3A_70  : i32 {
      %mul3A_78 = arith.constant 1 : i32
      %mul3A_79 = arith.muli %scan3A_77, %mul3A_78 : i32
      %add3A_80 = arith.constant 0 : i32
      %add3A_81 = arith.addi %add3A_80, %mul3A_79 : i32
      %mul3A_82 = arith.constant 5 : i32
      %mul3A_83 = arith.muli %add3A_81, %mul3A_82 : i32
      %add3A_84 = arith.constant 0 : i32
      %add3A_85 = arith.addi %mul3A_83, %add3A_84 : i32
      %dma_wait3A = arith.constant 0 : i32
      %dma_wait3A_86 = arith.constant 0 : i32
      %dma_wait3A_87 = arith.constant 0 : i32
      %dma_wait3A_88 = tpu.memref_slice %arg9[%dma_wait3A, %dma_wait3A_86, %dma_wait3A_87] : memref<5x80x16xf32, #tpu.memory_space<vmem>> -> memref<1x80x16xf32, #tpu.memory_space<vmem>>
      %dma_wait3A_89 = tpu.memref_squeeze %dma_wait3A_88 : memref<1x80x16xf32, #tpu.memory_space<vmem>> -> memref<80x16xf32, #tpu.memory_space<vmem>>
      %dma_wait3A_90 = arith.constant 0 : i32
      %dma_wait3A_91 = tpu.memref_slice %arg7[%add3A_85, %dma_wait3A_90] : memref<125x80xi32, #tpu.memory_space<vmem>> -> memref<1x80xi32, #tpu.memory_space<vmem>>
      %dma_wait3A_92 = tpu.memref_squeeze %dma_wait3A_91 : memref<1x80xi32, #tpu.memory_space<vmem>> -> memref<80xi32, #tpu.memory_space<vmem>>
      %dma_wait3A_93 = arith.constant 0 : i32
      %dma_wait3A_94 = arith.constant 0 : i32
      %dma_wait3A_95 = tpu.memref_slice %arg11[%dma_wait3A_93, %dma_wait3A_94] : memref<10112x16xf32, #tpu.memory_space<vmem_shared>> -> memref<10112x16xf32, #tpu.memory_space<vmem_shared>>
      tpu.wait_indirect_dma semaphore(%arg12 : memref<!tpu.dma_semaphore, #tpu.memory_space<semaphore_mem>>) src(%dma_wait3A_95 : memref<10112x16xf32, #tpu.memory_space<vmem_shared>>) dst(%dma_wait3A_89 : memref<80x16xf32, #tpu.memory_space<vmem>>)
      %dma_start3A_96 = arith.constant 0 : i32
      %dma_start3A_97 = arith.constant 0 : i32
      %dma_start3A_98 = arith.constant 0 : i32
      %dma_start3A_99 = tpu.memref_slice %arg9[%dma_start3A_96, %dma_start3A_97, %dma_start3A_98] : memref<5x80x16xf32, #tpu.memory_space<vmem>> -> memref<1x80x16xf32, #tpu.memory_space<vmem>>
      %dma_start3A_100 = tpu.memref_squeeze %dma_start3A_99 : memref<1x80x16xf32, #tpu.memory_space<vmem>> -> memref<80x16xf32, #tpu.memory_space<vmem>>
      %dma_start3A_101 = arith.constant 0 : i32
      %dma_start3A_102 = tpu.memref_slice %arg8[%add3A_85, %dma_start3A_101] : memref<125x80xi32, #tpu.memory_space<vmem>> -> memref<1x80xi32, #tpu.memory_space<vmem>>
      %dma_start3A_103 = tpu.memref_squeeze %dma_start3A_102 : memref<1x80xi32, #tpu.memory_space<vmem>> -> memref<80xi32, #tpu.memory_space<vmem>>
      %dma_start3A_104 = arith.constant 0 : i32
      %dma_start3A_105 = arith.constant 0 : i32
      %dma_start3A_106 = tpu.memref_slice %arg10[%dma_start3A_104, %dma_start3A_105] : memref<10112x16xf32, #tpu.memory_space<vmem_shared>> -> memref<10112x16xf32, #tpu.memory_space<vmem_shared>>
      tpu.enqueue_indirect_dma source(%dma_start3A_100 : memref<80x16xf32, #tpu.memory_space<vmem>>) target(%dma_start3A_106 : memref<10112x16xf32, #tpu.memory_space<vmem_shared>>) offsets(%dma_start3A_103 : memref<80xi32, #tpu.memory_space<vmem>>) semaphore(%arg13 : memref<!tpu.dma_semaphore, #tpu.memory_space<semaphore_mem>>) {add = true}
      %dma_wait3A_107 = arith.constant 0 : i32
      %dma_wait3A_108 = arith.constant 0 : i32
      %dma_wait3A_109 = arith.constant 0 : i32
      %dma_wait3A_110 = tpu.memref_slice %arg9[%dma_wait3A_107, %dma_wait3A_108, %dma_wait3A_109] : memref<5x80x16xf32, #tpu.memory_space<vmem>> -> memref<1x80x16xf32, #tpu.memory_space<vmem>>
      %dma_wait3A_111 = tpu.memref_squeeze %dma_wait3A_110 : memref<1x80x16xf32, #tpu.memory_space<vmem>> -> memref<80x16xf32, #tpu.memory_space<vmem>>
      %dma_wait3A_112 = arith.constant 0 : i32
      %dma_wait3A_113 = tpu.memref_slice %arg8[%add3A_85, %dma_wait3A_112] : memref<125x80xi32, #tpu.memory_space<vmem>> -> memref<1x80xi32, #tpu.memory_space<vmem>>
      %dma_wait3A_114 = tpu.memref_squeeze %dma_wait3A_113 : memref<1x80xi32, #tpu.memory_space<vmem>> -> memref<80xi32, #tpu.memory_space<vmem>>
      %dma_wait3A_115 = arith.constant 0 : i32
      %dma_wait3A_116 = arith.constant 0 : i32
      %dma_wait3A_117 = tpu.memref_slice %arg10[%dma_wait3A_115, %dma_wait3A_116] : memref<10112x16xf32, #tpu.memory_space<vmem_shared>> -> memref<10112x16xf32, #tpu.memory_space<vmem_shared>>
      tpu.wait_indirect_dma semaphore(%arg13 : memref<!tpu.dma_semaphore, #tpu.memory_space<semaphore_mem>>) src(%dma_wait3A_111 : memref<80x16xf32, #tpu.memory_space<vmem>>) dst(%dma_wait3A_117 : memref<10112x16xf32, #tpu.memory_space<vmem_shared>>)
      %lt3A = arith.constant 24 : i32
      %lt3A_118 = arith.cmpi slt, %add3A_81, %lt3A : i32
      %convert_element_type3A = arith.extui %lt3A_118 : i1 to i32
      %cond3A = arith.constant 0 : i32
      %cond3A_119 = arith.cmpi ne, %convert_element_type3A, %cond3A : i32
      scf.if %cond3A_119 {
        %add3A_288 = arith.constant 5 : i32
        %add3A_289 = arith.addi %add3A_85, %add3A_288 : i32
        %dma_start3A_290 = arith.constant 0 : i32
        %dma_start3A_291 = arith.constant 0 : i32
        %dma_start3A_292 = arith.constant 0 : i32
        %dma_start3A_293 = tpu.memref_slice %arg9[%dma_start3A_290, %dma_start3A_291, %dma_start3A_292] : memref<5x80x16xf32, #tpu.memory_space<vmem>> -> memref<1x80x16xf32, #tpu.memory_space<vmem>>
        %dma_start3A_294 = tpu.memref_squeeze %dma_start3A_293 : memref<1x80x16xf32, #tpu.memory_space<vmem>> -> memref<80x16xf32, #tpu.memory_space<vmem>>
        %dma_start3A_295 = arith.constant 0 : i32
        %dma_start3A_296 = tpu.memref_slice %arg7[%add3A_289, %dma_start3A_295] : memref<125x80xi32, #tpu.memory_space<vmem>> -> memref<1x80xi32, #tpu.memory_space<vmem>>
        %dma_start3A_297 = tpu.memref_squeeze %dma_start3A_296 : memref<1x80xi32, #tpu.memory_space<vmem>> -> memref<80xi32, #tpu.memory_space<vmem>>
        %dma_start3A_298 = arith.constant 0 : i32
        %dma_start3A_299 = arith.constant 0 : i32
        %dma_start3A_300 = tpu.memref_slice %arg11[%dma_start3A_298, %dma_start3A_299] : memref<10112x16xf32, #tpu.memory_space<vmem_shared>> -> memref<10112x16xf32, #tpu.memory_space<vmem_shared>>
        tpu.enqueue_indirect_dma source(%dma_start3A_300 : memref<10112x16xf32, #tpu.memory_space<vmem_shared>>) target(%dma_start3A_294 : memref<80x16xf32, #tpu.memory_space<vmem>>) offsets(%dma_start3A_297 : memref<80xi32, #tpu.memory_space<vmem>>) semaphore(%arg12 : memref<!tpu.dma_semaphore, #tpu.memory_space<semaphore_mem>>)
      } else {
      }
      %mul3A_120 = arith.constant 5 : i32
      %mul3A_121 = arith.muli %add3A_81, %mul3A_120 : i32
      %add3A_122 = arith.constant 1 : i32
      %add3A_123 = arith.addi %mul3A_121, %add3A_122 : i32
      %dma_wait3A_124 = arith.constant 1 : i32
      %dma_wait3A_125 = arith.constant 0 : i32
      %dma_wait3A_126 = arith.constant 0 : i32
      %dma_wait3A_127 = tpu.memref_slice %arg9[%dma_wait3A_124, %dma_wait3A_125, %dma_wait3A_126] : memref<5x80x16xf32, #tpu.memory_space<vmem>> -> memref<1x80x16xf32, #tpu.memory_space<vmem>>
      %dma_wait3A_128 = tpu.memref_squeeze %dma_wait3A_127 : memref<1x80x16xf32, #tpu.memory_space<vmem>> -> memref<80x16xf32, #tpu.memory_space<vmem>>
      %dma_wait3A_129 = arith.constant 0 : i32
      %dma_wait3A_130 = tpu.memref_slice %arg7[%add3A_123, %dma_wait3A_129] : memref<125x80xi32, #tpu.memory_space<vmem>> -> memref<1x80xi32, #tpu.memory_space<vmem>>
      %dma_wait3A_131 = tpu.memref_squeeze %dma_wait3A_130 : memref<1x80xi32, #tpu.memory_space<vmem>> -> memref<80xi32, #tpu.memory_space<vmem>>
      %dma_wait3A_132 = arith.constant 0 : i32
      %dma_wait3A_133 = arith.constant 0 : i32
      %dma_wait3A_134 = tpu.memref_slice %arg11[%dma_wait3A_132, %dma_wait3A_133] : memref<10112x16xf32, #tpu.memory_space<vmem_shared>> -> memref<10112x16xf32, #tpu.memory_space<vmem_shared>>
      tpu.wait_indirect_dma semaphore(%arg12 : memref<!tpu.dma_semaphore, #tpu.memory_space<semaphore_mem>>) src(%dma_wait3A_134 : memref<10112x16xf32, #tpu.memory_space<vmem_shared>>) dst(%dma_wait3A_128 : memref<80x16xf32, #tpu.memory_space<vmem>>)
      %dma_start3A_135 = arith.constant 1 : i32
      %dma_start3A_136 = arith.constant 0 : i32
      %dma_start3A_137 = arith.constant 0 : i32
      %dma_start3A_138 = tpu.memref_slice %arg9[%dma_start3A_135, %dma_start3A_136, %dma_start3A_137] : memref<5x80x16xf32, #tpu.memory_space<vmem>> -> memref<1x80x16xf32, #tpu.memory_space<vmem>>
      %dma_start3A_139 = tpu.memref_squeeze %dma_start3A_138 : memref<1x80x16xf32, #tpu.memory_space<vmem>> -> memref<80x16xf32, #tpu.memory_space<vmem>>
      %dma_start3A_140 = arith.constant 0 : i32
      %dma_start3A_141 = tpu.memref_slice %arg8[%add3A_123, %dma_start3A_140] : memref<125x80xi32, #tpu.memory_space<vmem>> -> memref<1x80xi32, #tpu.memory_space<vmem>>
      %dma_start3A_142 = tpu.memref_squeeze %dma_start3A_141 : memref<1x80xi32, #tpu.memory_space<vmem>> -> memref<80xi32, #tpu.memory_space<vmem>>
      %dma_start3A_143 = arith.constant 0 : i32
      %dma_start3A_144 = arith.constant 0 : i32
      %dma_start3A_145 = tpu.memref_slice %arg10[%dma_start3A_143, %dma_start3A_144] : memref<10112x16xf32, #tpu.memory_space<vmem_shared>> -> memref<10112x16xf32, #tpu.memory_space<vmem_shared>>
      tpu.enqueue_indirect_dma source(%dma_start3A_139 : memref<80x16xf32, #tpu.memory_space<vmem>>) target(%dma_start3A_145 : memref<10112x16xf32, #tpu.memory_space<vmem_shared>>) offsets(%dma_start3A_142 : memref<80xi32, #tpu.memory_space<vmem>>) semaphore(%arg13 : memref<!tpu.dma_semaphore, #tpu.memory_space<semaphore_mem>>) {add = true}
      %dma_wait3A_146 = arith.constant 1 : i32
      %dma_wait3A_147 = arith.constant 0 : i32
      %dma_wait3A_148 = arith.constant 0 : i32
      %dma_wait3A_149 = tpu.memref_slice %arg9[%dma_wait3A_146, %dma_wait3A_147, %dma_wait3A_148] : memref<5x80x16xf32, #tpu.memory_space<vmem>> -> memref<1x80x16xf32, #tpu.memory_space<vmem>>
      %dma_wait3A_150 = tpu.memref_squeeze %dma_wait3A_149 : memref<1x80x16xf32, #tpu.memory_space<vmem>> -> memref<80x16xf32, #tpu.memory_space<vmem>>
      %dma_wait3A_151 = arith.constant 0 : i32
      %dma_wait3A_152 = tpu.memref_slice %arg8[%add3A_123, %dma_wait3A_151] : memref<125x80xi32, #tpu.memory_space<vmem>> -> memref<1x80xi32, #tpu.memory_space<vmem>>
      %dma_wait3A_153 = tpu.memref_squeeze %dma_wait3A_152 : memref<1x80xi32, #tpu.memory_space<vmem>> -> memref<80xi32, #tpu.memory_space<vmem>>
      %dma_wait3A_154 = arith.constant 0 : i32
      %dma_wait3A_155 = arith.constant 0 : i32
      %dma_wait3A_156 = tpu.memref_slice %arg10[%dma_wait3A_154, %dma_wait3A_155] : memref<10112x16xf32, #tpu.memory_space<vmem_shared>> -> memref<10112x16xf32, #tpu.memory_space<vmem_shared>>
      tpu.wait_indirect_dma semaphore(%arg13 : memref<!tpu.dma_semaphore, #tpu.memory_space<semaphore_mem>>) src(%dma_wait3A_150 : memref<80x16xf32, #tpu.memory_space<vmem>>) dst(%dma_wait3A_156 : memref<10112x16xf32, #tpu.memory_space<vmem_shared>>)
      %lt3A_157 = arith.constant 24 : i32
      %lt3A_158 = arith.cmpi slt, %add3A_81, %lt3A_157 : i32
      %convert_element_type3A_159 = arith.extui %lt3A_158 : i1 to i32
      %cond3A_160 = arith.constant 0 : i32
      %cond3A_161 = arith.cmpi ne, %convert_element_type3A_159, %cond3A_160 : i32
      scf.if %cond3A_161 {
        %add3A_288 = arith.constant 5 : i32
        %add3A_289 = arith.addi %add3A_123, %add3A_288 : i32
        %dma_start3A_290 = arith.constant 1 : i32
        %dma_start3A_291 = arith.constant 0 : i32
        %dma_start3A_292 = arith.constant 0 : i32
        %dma_start3A_293 = tpu.memref_slice %arg9[%dma_start3A_290, %dma_start3A_291, %dma_start3A_292] : memref<5x80x16xf32, #tpu.memory_space<vmem>> -> memref<1x80x16xf32, #tpu.memory_space<vmem>>
        %dma_start3A_294 = tpu.memref_squeeze %dma_start3A_293 : memref<1x80x16xf32, #tpu.memory_space<vmem>> -> memref<80x16xf32, #tpu.memory_space<vmem>>
        %dma_start3A_295 = arith.constant 0 : i32
        %dma_start3A_296 = tpu.memref_slice %arg7[%add3A_289, %dma_start3A_295] : memref<125x80xi32, #tpu.memory_space<vmem>> -> memref<1x80xi32, #tpu.memory_space<vmem>>
        %dma_start3A_297 = tpu.memref_squeeze %dma_start3A_296 : memref<1x80xi32, #tpu.memory_space<vmem>> -> memref<80xi32, #tpu.memory_space<vmem>>
        %dma_start3A_298 = arith.constant 0 : i32
        %dma_start3A_299 = arith.constant 0 : i32
        %dma_start3A_300 = tpu.memref_slice %arg11[%dma_start3A_298, %dma_start3A_299] : memref<10112x16xf32, #tpu.memory_space<vmem_shared>> -> memref<10112x16xf32, #tpu.memory_space<vmem_shared>>
        tpu.enqueue_indirect_dma source(%dma_start3A_300 : memref<10112x16xf32, #tpu.memory_space<vmem_shared>>) target(%dma_start3A_294 : memref<80x16xf32, #tpu.memory_space<vmem>>) offsets(%dma_start3A_297 : memref<80xi32, #tpu.memory_space<vmem>>) semaphore(%arg12 : memref<!tpu.dma_semaphore, #tpu.memory_space<semaphore_mem>>)
      } else {
      }
      %mul3A_162 = arith.constant 5 : i32
      %mul3A_163 = arith.muli %add3A_81, %mul3A_162 : i32
      %add3A_164 = arith.constant 2 : i32
      %add3A_165 = arith.addi %mul3A_163, %add3A_164 : i32
      %dma_wait3A_166 = arith.constant 2 : i32
      %dma_wait3A_167 = arith.constant 0 : i32
      %dma_wait3A_168 = arith.constant 0 : i32
      %dma_wait3A_169 = tpu.memref_slice %arg9[%dma_wait3A_166, %dma_wait3A_167, %dma_wait3A_168] : memref<5x80x16xf32, #tpu.memory_space<vmem>> -> memref<1x80x16xf32, #tpu.memory_space<vmem>>
      %dma_wait3A_170 = tpu.memref_squeeze %dma_wait3A_169 : memref<1x80x16xf32, #tpu.memory_space<vmem>> -> memref<80x16xf32, #tpu.memory_space<vmem>>
      %dma_wait3A_171 = arith.constant 0 : i32
      %dma_wait3A_172 = tpu.memref_slice %arg7[%add3A_165, %dma_wait3A_171] : memref<125x80xi32, #tpu.memory_space<vmem>> -> memref<1x80xi32, #tpu.memory_space<vmem>>
      %dma_wait3A_173 = tpu.memref_squeeze %dma_wait3A_172 : memref<1x80xi32, #tpu.memory_space<vmem>> -> memref<80xi32, #tpu.memory_space<vmem>>
      %dma_wait3A_174 = arith.constant 0 : i32
      %dma_wait3A_175 = arith.constant 0 : i32
      %dma_wait3A_176 = tpu.memref_slice %arg11[%dma_wait3A_174, %dma_wait3A_175] : memref<10112x16xf32, #tpu.memory_space<vmem_shared>> -> memref<10112x16xf32, #tpu.memory_space<vmem_shared>>
      tpu.wait_indirect_dma semaphore(%arg12 : memref<!tpu.dma_semaphore, #tpu.memory_space<semaphore_mem>>) src(%dma_wait3A_176 : memref<10112x16xf32, #tpu.memory_space<vmem_shared>>) dst(%dma_wait3A_170 : memref<80x16xf32, #tpu.memory_space<vmem>>)
      %dma_start3A_177 = arith.constant 2 : i32
      %dma_start3A_178 = arith.constant 0 : i32
      %dma_start3A_179 = arith.constant 0 : i32
      %dma_start3A_180 = tpu.memref_slice %arg9[%dma_start3A_177, %dma_start3A_178, %dma_start3A_179] : memref<5x80x16xf32, #tpu.memory_space<vmem>> -> memref<1x80x16xf32, #tpu.memory_space<vmem>>
      %dma_start3A_181 = tpu.memref_squeeze %dma_start3A_180 : memref<1x80x16xf32, #tpu.memory_space<vmem>> -> memref<80x16xf32, #tpu.memory_space<vmem>>
      %dma_start3A_182 = arith.constant 0 : i32
      %dma_start3A_183 = tpu.memref_slice %arg8[%add3A_165, %dma_start3A_182] : memref<125x80xi32, #tpu.memory_space<vmem>> -> memref<1x80xi32, #tpu.memory_space<vmem>>
      %dma_start3A_184 = tpu.memref_squeeze %dma_start3A_183 : memref<1x80xi32, #tpu.memory_space<vmem>> -> memref<80xi32, #tpu.memory_space<vmem>>
      %dma_start3A_185 = arith.constant 0 : i32
      %dma_start3A_186 = arith.constant 0 : i32
      %dma_start3A_187 = tpu.memref_slice %arg10[%dma_start3A_185, %dma_start3A_186] : memref<10112x16xf32, #tpu.memory_space<vmem_shared>> -> memref<10112x16xf32, #tpu.memory_space<vmem_shared>>
      tpu.enqueue_indirect_dma source(%dma_start3A_181 : memref<80x16xf32, #tpu.memory_space<vmem>>) target(%dma_start3A_187 : memref<10112x16xf32, #tpu.memory_space<vmem_shared>>) offsets(%dma_start3A_184 : memref<80xi32, #tpu.memory_space<vmem>>) semaphore(%arg13 : memref<!tpu.dma_semaphore, #tpu.memory_space<semaphore_mem>>) {add = true}
      %dma_wait3A_188 = arith.constant 2 : i32
      %dma_wait3A_189 = arith.constant 0 : i32
      %dma_wait3A_190 = arith.constant 0 : i32
      %dma_wait3A_191 = tpu.memref_slice %arg9[%dma_wait3A_188, %dma_wait3A_189, %dma_wait3A_190] : memref<5x80x16xf32, #tpu.memory_space<vmem>> -> memref<1x80x16xf32, #tpu.memory_space<vmem>>
      %dma_wait3A_192 = tpu.memref_squeeze %dma_wait3A_191 : memref<1x80x16xf32, #tpu.memory_space<vmem>> -> memref<80x16xf32, #tpu.memory_space<vmem>>
      %dma_wait3A_193 = arith.constant 0 : i32
      %dma_wait3A_194 = tpu.memref_slice %arg8[%add3A_165, %dma_wait3A_193] : memref<125x80xi32, #tpu.memory_space<vmem>> -> memref<1x80xi32, #tpu.memory_space<vmem>>
      %dma_wait3A_195 = tpu.memref_squeeze %dma_wait3A_194 : memref<1x80xi32, #tpu.memory_space<vmem>> -> memref<80xi32, #tpu.memory_space<vmem>>
      %dma_wait3A_196 = arith.constant 0 : i32
      %dma_wait3A_197 = arith.constant 0 : i32
      %dma_wait3A_198 = tpu.memref_slice %arg10[%dma_wait3A_196, %dma_wait3A_197] : memref<10112x16xf32, #tpu.memory_space<vmem_shared>> -> memref<10112x16xf32, #tpu.memory_space<vmem_shared>>
      tpu.wait_indirect_dma semaphore(%arg13 : memref<!tpu.dma_semaphore, #tpu.memory_space<semaphore_mem>>) src(%dma_wait3A_192 : memref<80x16xf32, #tpu.memory_space<vmem>>) dst(%dma_wait3A_198 : memref<10112x16xf32, #tpu.memory_space<vmem_shared>>)
      %lt3A_199 = arith.constant 24 : i32
      %lt3A_200 = arith.cmpi slt, %add3A_81, %lt3A_199 : i32
      %convert_element_type3A_201 = arith.extui %lt3A_200 : i1 to i32
      %cond3A_202 = arith.constant 0 : i32
      %cond3A_203 = arith.cmpi ne, %convert_element_type3A_201, %cond3A_202 : i32
      scf.if %cond3A_203 {
        %add3A_288 = arith.constant 5 : i32
        %add3A_289 = arith.addi %add3A_165, %add3A_288 : i32
        %dma_start3A_290 = arith.constant 2 : i32
        %dma_start3A_291 = arith.constant 0 : i32
        %dma_start3A_292 = arith.constant 0 : i32
        %dma_start3A_293 = tpu.memref_slice %arg9[%dma_start3A_290, %dma_start3A_291, %dma_start3A_292] : memref<5x80x16xf32, #tpu.memory_space<vmem>> -> memref<1x80x16xf32, #tpu.memory_space<vmem>>
        %dma_start3A_294 = tpu.memref_squeeze %dma_start3A_293 : memref<1x80x16xf32, #tpu.memory_space<vmem>> -> memref<80x16xf32, #tpu.memory_space<vmem>>
        %dma_start3A_295 = arith.constant 0 : i32
        %dma_start3A_296 = tpu.memref_slice %arg7[%add3A_289, %dma_start3A_295] : memref<125x80xi32, #tpu.memory_space<vmem>> -> memref<1x80xi32, #tpu.memory_space<vmem>>
        %dma_start3A_297 = tpu.memref_squeeze %dma_start3A_296 : memref<1x80xi32, #tpu.memory_space<vmem>> -> memref<80xi32, #tpu.memory_space<vmem>>
        %dma_start3A_298 = arith.constant 0 : i32
        %dma_start3A_299 = arith.constant 0 : i32
        %dma_start3A_300 = tpu.memref_slice %arg11[%dma_start3A_298, %dma_start3A_299] : memref<10112x16xf32, #tpu.memory_space<vmem_shared>> -> memref<10112x16xf32, #tpu.memory_space<vmem_shared>>
        tpu.enqueue_indirect_dma source(%dma_start3A_300 : memref<10112x16xf32, #tpu.memory_space<vmem_shared>>) target(%dma_start3A_294 : memref<80x16xf32, #tpu.memory_space<vmem>>) offsets(%dma_start3A_297 : memref<80xi32, #tpu.memory_space<vmem>>) semaphore(%arg12 : memref<!tpu.dma_semaphore, #tpu.memory_space<semaphore_mem>>)
      } else {
      }
      %mul3A_204 = arith.constant 5 : i32
      %mul3A_205 = arith.muli %add3A_81, %mul3A_204 : i32
      %add3A_206 = arith.constant 3 : i32
      %add3A_207 = arith.addi %mul3A_205, %add3A_206 : i32
      %dma_wait3A_208 = arith.constant 3 : i32
      %dma_wait3A_209 = arith.constant 0 : i32
      %dma_wait3A_210 = arith.constant 0 : i32
      %dma_wait3A_211 = tpu.memref_slice %arg9[%dma_wait3A_208, %dma_wait3A_209, %dma_wait3A_210] : memref<5x80x16xf32, #tpu.memory_space<vmem>> -> memref<1x80x16xf32, #tpu.memory_space<vmem>>
      %dma_wait3A_212 = tpu.memref_squeeze %dma_wait3A_211 : memref<1x80x16xf32, #tpu.memory_space<vmem>> -> memref<80x16xf32, #tpu.memory_space<vmem>>
      %dma_wait3A_213 = arith.constant 0 : i32
      %dma_wait3A_214 = tpu.memref_slice %arg7[%add3A_207, %dma_wait3A_213] : memref<125x80xi32, #tpu.memory_space<vmem>> -> memref<1x80xi32, #tpu.memory_space<vmem>>
      %dma_wait3A_215 = tpu.memref_squeeze %dma_wait3A_214 : memref<1x80xi32, #tpu.memory_space<vmem>> -> memref<80xi32, #tpu.memory_space<vmem>>
      %dma_wait3A_216 = arith.constant 0 : i32
      %dma_wait3A_217 = arith.constant 0 : i32
      %dma_wait3A_218 = tpu.memref_slice %arg11[%dma_wait3A_216, %dma_wait3A_217] : memref<10112x16xf32, #tpu.memory_space<vmem_shared>> -> memref<10112x16xf32, #tpu.memory_space<vmem_shared>>
      tpu.wait_indirect_dma semaphore(%arg12 : memref<!tpu.dma_semaphore, #tpu.memory_space<semaphore_mem>>) src(%dma_wait3A_218 : memref<10112x16xf32, #tpu.memory_space<vmem_shared>>) dst(%dma_wait3A_212 : memref<80x16xf32, #tpu.memory_space<vmem>>)
      %dma_start3A_219 = arith.constant 3 : i32
      %dma_start3A_220 = arith.constant 0 : i32
      %dma_start3A_221 = arith.constant 0 : i32
      %dma_start3A_222 = tpu.memref_slice %arg9[%dma_start3A_219, %dma_start3A_220, %dma_start3A_221] : memref<5x80x16xf32, #tpu.memory_space<vmem>> -> memref<1x80x16xf32, #tpu.memory_space<vmem>>
      %dma_start3A_223 = tpu.memref_squeeze %dma_start3A_222 : memref<1x80x16xf32, #tpu.memory_space<vmem>> -> memref<80x16xf32, #tpu.memory_space<vmem>>
      %dma_start3A_224 = arith.constant 0 : i32
      %dma_start3A_225 = tpu.memref_slice %arg8[%add3A_207, %dma_start3A_224] : memref<125x80xi32, #tpu.memory_space<vmem>> -> memref<1x80xi32, #tpu.memory_space<vmem>>
      %dma_start3A_226 = tpu.memref_squeeze %dma_start3A_225 : memref<1x80xi32, #tpu.memory_space<vmem>> -> memref<80xi32, #tpu.memory_space<vmem>>
      %dma_start3A_227 = arith.constant 0 : i32
      %dma_start3A_228 = arith.constant 0 : i32
      %dma_start3A_229 = tpu.memref_slice %arg10[%dma_start3A_227, %dma_start3A_228] : memref<10112x16xf32, #tpu.memory_space<vmem_shared>> -> memref<10112x16xf32, #tpu.memory_space<vmem_shared>>
      tpu.enqueue_indirect_dma source(%dma_start3A_223 : memref<80x16xf32, #tpu.memory_space<vmem>>) target(%dma_start3A_229 : memref<10112x16xf32, #tpu.memory_space<vmem_shared>>) offsets(%dma_start3A_226 : memref<80xi32, #tpu.memory_space<vmem>>) semaphore(%arg13 : memref<!tpu.dma_semaphore, #tpu.memory_space<semaphore_mem>>) {add = true}
      %dma_wait3A_230 = arith.constant 3 : i32
      %dma_wait3A_231 = arith.constant 0 : i32
      %dma_wait3A_232 = arith.constant 0 : i32
      %dma_wait3A_233 = tpu.memref_slice %arg9[%dma_wait3A_230, %dma_wait3A_231, %dma_wait3A_232] : memref<5x80x16xf32, #tpu.memory_space<vmem>> -> memref<1x80x16xf32, #tpu.memory_space<vmem>>
      %dma_wait3A_234 = tpu.memref_squeeze %dma_wait3A_233 : memref<1x80x16xf32, #tpu.memory_space<vmem>> -> memref<80x16xf32, #tpu.memory_space<vmem>>
      %dma_wait3A_235 = arith.constant 0 : i32
      %dma_wait3A_236 = tpu.memref_slice %arg8[%add3A_207, %dma_wait3A_235] : memref<125x80xi32, #tpu.memory_space<vmem>> -> memref<1x80xi32, #tpu.memory_space<vmem>>
      %dma_wait3A_237 = tpu.memref_squeeze %dma_wait3A_236 : memref<1x80xi32, #tpu.memory_space<vmem>> -> memref<80xi32, #tpu.memory_space<vmem>>
      %dma_wait3A_238 = arith.constant 0 : i32
      %dma_wait3A_239 = arith.constant 0 : i32
      %dma_wait3A_240 = tpu.memref_slice %arg10[%dma_wait3A_238, %dma_wait3A_239] : memref<10112x16xf32, #tpu.memory_space<vmem_shared>> -> memref<10112x16xf32, #tpu.memory_space<vmem_shared>>
      tpu.wait_indirect_dma semaphore(%arg13 : memref<!tpu.dma_semaphore, #tpu.memory_space<semaphore_mem>>) src(%dma_wait3A_234 : memref<80x16xf32, #tpu.memory_space<vmem>>) dst(%dma_wait3A_240 : memref<10112x16xf32, #tpu.memory_space<vmem_shared>>)
      %lt3A_241 = arith.constant 24 : i32
      %lt3A_242 = arith.cmpi slt, %add3A_81, %lt3A_241 : i32
      %convert_element_type3A_243 = arith.extui %lt3A_242 : i1 to i32
      %cond3A_244 = arith.constant 0 : i32
      %cond3A_245 = arith.cmpi ne, %convert_element_type3A_243, %cond3A_244 : i32
      scf.if %cond3A_245 {
        %add3A_288 = arith.constant 5 : i32
        %add3A_289 = arith.addi %add3A_207, %add3A_288 : i32
        %dma_start3A_290 = arith.constant 3 : i32
        %dma_start3A_291 = arith.constant 0 : i32
        %dma_start3A_292 = arith.constant 0 : i32
        %dma_start3A_293 = tpu.memref_slice %arg9[%dma_start3A_290, %dma_start3A_291, %dma_start3A_292] : memref<5x80x16xf32, #tpu.memory_space<vmem>> -> memref<1x80x16xf32, #tpu.memory_space<vmem>>
        %dma_start3A_294 = tpu.memref_squeeze %dma_start3A_293 : memref<1x80x16xf32, #tpu.memory_space<vmem>> -> memref<80x16xf32, #tpu.memory_space<vmem>>
        %dma_start3A_295 = arith.constant 0 : i32
        %dma_start3A_296 = tpu.memref_slice %arg7[%add3A_289, %dma_start3A_295] : memref<125x80xi32, #tpu.memory_space<vmem>> -> memref<1x80xi32, #tpu.memory_space<vmem>>
        %dma_start3A_297 = tpu.memref_squeeze %dma_start3A_296 : memref<1x80xi32, #tpu.memory_space<vmem>> -> memref<80xi32, #tpu.memory_space<vmem>>
        %dma_start3A_298 = arith.constant 0 : i32
        %dma_start3A_299 = arith.constant 0 : i32
        %dma_start3A_300 = tpu.memref_slice %arg11[%dma_start3A_298, %dma_start3A_299] : memref<10112x16xf32, #tpu.memory_space<vmem_shared>> -> memref<10112x16xf32, #tpu.memory_space<vmem_shared>>
        tpu.enqueue_indirect_dma source(%dma_start3A_300 : memref<10112x16xf32, #tpu.memory_space<vmem_shared>>) target(%dma_start3A_294 : memref<80x16xf32, #tpu.memory_space<vmem>>) offsets(%dma_start3A_297 : memref<80xi32, #tpu.memory_space<vmem>>) semaphore(%arg12 : memref<!tpu.dma_semaphore, #tpu.memory_space<semaphore_mem>>)
      } else {
      }
      %mul3A_246 = arith.constant 5 : i32
      %mul3A_247 = arith.muli %add3A_81, %mul3A_246 : i32
      %add3A_248 = arith.constant 4 : i32
      %add3A_249 = arith.addi %mul3A_247, %add3A_248 : i32
      %dma_wait3A_250 = arith.constant 4 : i32
      %dma_wait3A_251 = arith.constant 0 : i32
      %dma_wait3A_252 = arith.constant 0 : i32
      %dma_wait3A_253 = tpu.memref_slice %arg9[%dma_wait3A_250, %dma_wait3A_251, %dma_wait3A_252] : memref<5x80x16xf32, #tpu.memory_space<vmem>> -> memref<1x80x16xf32, #tpu.memory_space<vmem>>
      %dma_wait3A_254 = tpu.memref_squeeze %dma_wait3A_253 : memref<1x80x16xf32, #tpu.memory_space<vmem>> -> memref<80x16xf32, #tpu.memory_space<vmem>>
      %dma_wait3A_255 = arith.constant 0 : i32
      %dma_wait3A_256 = tpu.memref_slice %arg7[%add3A_249, %dma_wait3A_255] : memref<125x80xi32, #tpu.memory_space<vmem>> -> memref<1x80xi32, #tpu.memory_space<vmem>>
      %dma_wait3A_257 = tpu.memref_squeeze %dma_wait3A_256 : memref<1x80xi32, #tpu.memory_space<vmem>> -> memref<80xi32, #tpu.memory_space<vmem>>
      %dma_wait3A_258 = arith.constant 0 : i32
      %dma_wait3A_259 = arith.constant 0 : i32
      %dma_wait3A_260 = tpu.memref_slice %arg11[%dma_wait3A_258, %dma_wait3A_259] : memref<10112x16xf32, #tpu.memory_space<vmem_shared>> -> memref<10112x16xf32, #tpu.memory_space<vmem_shared>>
      tpu.wait_indirect_dma semaphore(%arg12 : memref<!tpu.dma_semaphore, #tpu.memory_space<semaphore_mem>>) src(%dma_wait3A_260 : memref<10112x16xf32, #tpu.memory_space<vmem_shared>>) dst(%dma_wait3A_254 : memref<80x16xf32, #tpu.memory_space<vmem>>)
      %dma_start3A_261 = arith.constant 4 : i32
      %dma_start3A_262 = arith.constant 0 : i32
      %dma_start3A_263 = arith.constant 0 : i32
      %dma_start3A_264 = tpu.memref_slice %arg9[%dma_start3A_261, %dma_start3A_262, %dma_start3A_263] : memref<5x80x16xf32, #tpu.memory_space<vmem>> -> memref<1x80x16xf32, #tpu.memory_space<vmem>>
      %dma_start3A_265 = tpu.memref_squeeze %dma_start3A_264 : memref<1x80x16xf32, #tpu.memory_space<vmem>> -> memref<80x16xf32, #tpu.memory_space<vmem>>
      %dma_start3A_266 = arith.constant 0 : i32
      %dma_start3A_267 = tpu.memref_slice %arg8[%add3A_249, %dma_start3A_266] : memref<125x80xi32, #tpu.memory_space<vmem>> -> memref<1x80xi32, #tpu.memory_space<vmem>>
      %dma_start3A_268 = tpu.memref_squeeze %dma_start3A_267 : memref<1x80xi32, #tpu.memory_space<vmem>> -> memref<80xi32, #tpu.memory_space<vmem>>
      %dma_start3A_269 = arith.constant 0 : i32
      %dma_start3A_270 = arith.constant 0 : i32
      %dma_start3A_271 = tpu.memref_slice %arg10[%dma_start3A_269, %dma_start3A_270] : memref<10112x16xf32, #tpu.memory_space<vmem_shared>> -> memref<10112x16xf32, #tpu.memory_space<vmem_shared>>
      tpu.enqueue_indirect_dma source(%dma_start3A_265 : memref<80x16xf32, #tpu.memory_space<vmem>>) target(%dma_start3A_271 : memref<10112x16xf32, #tpu.memory_space<vmem_shared>>) offsets(%dma_start3A_268 : memref<80xi32, #tpu.memory_space<vmem>>) semaphore(%arg13 : memref<!tpu.dma_semaphore, #tpu.memory_space<semaphore_mem>>) {add = true}
      %dma_wait3A_272 = arith.constant 4 : i32
      %dma_wait3A_273 = arith.constant 0 : i32
      %dma_wait3A_274 = arith.constant 0 : i32
      %dma_wait3A_275 = tpu.memref_slice %arg9[%dma_wait3A_272, %dma_wait3A_273, %dma_wait3A_274] : memref<5x80x16xf32, #tpu.memory_space<vmem>> -> memref<1x80x16xf32, #tpu.memory_space<vmem>>
      %dma_wait3A_276 = tpu.memref_squeeze %dma_wait3A_275 : memref<1x80x16xf32, #tpu.memory_space<vmem>> -> memref<80x16xf32, #tpu.memory_space<vmem>>
      %dma_wait3A_277 = arith.constant 0 : i32
      %dma_wait3A_278 = tpu.memref_slice %arg8[%add3A_249, %dma_wait3A_277] : memref<125x80xi32, #tpu.memory_space<vmem>> -> memref<1x80xi32, #tpu.memory_space<vmem>>
      %dma_wait3A_279 = tpu.memref_squeeze %dma_wait3A_278 : memref<1x80xi32, #tpu.memory_space<vmem>> -> memref<80xi32, #tpu.memory_space<vmem>>
      %dma_wait3A_280 = arith.constant 0 : i32
      %dma_wait3A_281 = arith.constant 0 : i32
      %dma_wait3A_282 = tpu.memref_slice %arg10[%dma_wait3A_280, %dma_wait3A_281] : memref<10112x16xf32, #tpu.memory_space<vmem_shared>> -> memref<10112x16xf32, #tpu.memory_space<vmem_shared>>
      tpu.wait_indirect_dma semaphore(%arg13 : memref<!tpu.dma_semaphore, #tpu.memory_space<semaphore_mem>>) src(%dma_wait3A_276 : memref<80x16xf32, #tpu.memory_space<vmem>>) dst(%dma_wait3A_282 : memref<10112x16xf32, #tpu.memory_space<vmem_shared>>)
      %lt3A_283 = arith.constant 24 : i32
      %lt3A_284 = arith.cmpi slt, %add3A_81, %lt3A_283 : i32
      %convert_element_type3A_285 = arith.extui %lt3A_284 : i1 to i32
      %cond3A_286 = arith.constant 0 : i32
      %cond3A_287 = arith.cmpi ne, %convert_element_type3A_285, %cond3A_286 : i32
      scf.if %cond3A_287 {
        %add3A_288 = arith.constant 5 : i32
        %add3A_289 = arith.addi %add3A_249, %add3A_288 : i32
        %dma_start3A_290 = arith.constant 4 : i32
        %dma_start3A_291 = arith.constant 0 : i32
        %dma_start3A_292 = arith.constant 0 : i32
        %dma_start3A_293 = tpu.memref_slice %arg9[%dma_start3A_290, %dma_start3A_291, %dma_start3A_292] : memref<5x80x16xf32, #tpu.memory_space<vmem>> -> memref<1x80x16xf32, #tpu.memory_space<vmem>>
        %dma_start3A_294 = tpu.memref_squeeze %dma_start3A_293 : memref<1x80x16xf32, #tpu.memory_space<vmem>> -> memref<80x16xf32, #tpu.memory_space<vmem>>
        %dma_start3A_295 = arith.constant 0 : i32
        %dma_start3A_296 = tpu.memref_slice %arg7[%add3A_289, %dma_start3A_295] : memref<125x80xi32, #tpu.memory_space<vmem>> -> memref<1x80xi32, #tpu.memory_space<vmem>>
        %dma_start3A_297 = tpu.memref_squeeze %dma_start3A_296 : memref<1x80xi32, #tpu.memory_space<vmem>> -> memref<80xi32, #tpu.memory_space<vmem>>
        %dma_start3A_298 = arith.constant 0 : i32
        %dma_start3A_299 = arith.constant 0 : i32
        %dma_start3A_300 = tpu.memref_slice %arg11[%dma_start3A_298, %dma_start3A_299] : memref<10112x16xf32, #tpu.memory_space<vmem_shared>> -> memref<10112x16xf32, #tpu.memory_space<vmem_shared>>
        tpu.enqueue_indirect_dma source(%dma_start3A_300 : memref<10112x16xf32, #tpu.memory_space<vmem_shared>>) target(%dma_start3A_294 : memref<80x16xf32, #tpu.memory_space<vmem>>) offsets(%dma_start3A_297 : memref<80xi32, #tpu.memory_space<vmem>>) semaphore(%arg12 : memref<!tpu.dma_semaphore, #tpu.memory_space<semaphore_mem>>)
      } else {
      }
    }
    %scan3A_71 = arith.constant 25 : i32
    %barrier3A_72 = arith.constant 0 : index
    tpu.barrier barrier_id(%barrier3A_72)
    %mul3A_73 = arith.constant 632 : i32
    %mul3A_74 = arith.muli %arg1, %mul3A_73 : i32
    %mul3A_75 = arith.constant 632 : i32
    %mul3A_76 = arith.muli %arg1, %mul3A_75 : i32
    "tpu.region"() ({
      %run_scoped3A = tpu.sem_alloc : memref<!tpu.dma_semaphore, #tpu.memory_space<semaphore_mem>>
      %dma_start3A_77 = arith.constant 0 : i32
      %dma_start3A_78 = tpu.memref_slice %arg6[%arg0, %mul3A_76, %dma_start3A_77] : memref<2x10112x16xf32, #tpu.memory_space<hbm>> -> memref<1x632x16xf32, #tpu.memory_space<hbm>>
      %dma_start3A_79 = tpu.memref_squeeze %dma_start3A_78 : memref<1x632x16xf32, #tpu.memory_space<hbm>> -> memref<632x16xf32, #tpu.memory_space<hbm>>
      %dma_start3A_80 = arith.constant 0 : i32
      %dma_start3A_81 = tpu.memref_slice %arg10[%mul3A_74, %dma_start3A_80] : memref<10112x16xf32, #tpu.memory_space<vmem_shared>> -> memref<632x16xf32, #tpu.memory_space<vmem_shared>>
      tpu.enqueue_dma source(%dma_start3A_81 : memref<632x16xf32, #tpu.memory_space<vmem_shared>>) target(%dma_start3A_79 : memref<632x16xf32, #tpu.memory_space<hbm>>) target_semaphore(%run_scoped3A : memref<!tpu.dma_semaphore, #tpu.memory_space<semaphore_mem>>)
      %dma_wait3A = arith.constant 0 : i32
      %dma_wait3A_82 = tpu.memref_slice %arg6[%arg0, %mul3A_76, %dma_wait3A] : memref<2x10112x16xf32, #tpu.memory_space<hbm>> -> memref<1x632x16xf32, #tpu.memory_space<hbm>>
      %dma_wait3A_83 = tpu.memref_squeeze %dma_wait3A_82 : memref<1x632x16xf32, #tpu.memory_space<hbm>> -> memref<632x16xf32, #tpu.memory_space<hbm>>
      %dma_wait3A_84 = arith.constant 0 : i32
      %dma_wait3A_85 = tpu.memref_slice %arg10[%mul3A_74, %dma_wait3A_84] : memref<10112x16xf32, #tpu.memory_space<vmem_shared>> -> memref<632x16xf32, #tpu.memory_space<vmem_shared>>
      tpu.wait_dma2 semaphore(%run_scoped3A : memref<!tpu.dma_semaphore, #tpu.memory_space<semaphore_mem>>) src(%dma_wait3A_85 : memref<632x16xf32, #tpu.memory_space<vmem_shared>>) dst(%dma_wait3A_83 : memref<632x16xf32, #tpu.memory_space<hbm>>)
      tpu.yield
    }) : () -> ()
    return
  }
}

module attributes {stable_mosaic.version = 14 : i64} {
  func.func @body(%arg0: memref<10000x128xf32, #tpu.memory_space<vmem>>, %arg1: memref<128x16xf32, #tpu.memory_space<vmem>>, %arg2: memref<2x10112x16xf32, #tpu.memory_space<vmem>>, %arg3: memref<10112x16xf32, #tpu.memory_space<vmem>>, %arg4: memref<10000x1xf32, #tpu.memory_space<vmem>>) attributes {dimension_semantics = [], scalar_prefetch = 0 : i64, scratch_operands = 0 : i64, tpu.core_type = #tpu.core_type<tc>} {
    %get3A = arith.constant 0 : index
    %get3A_0 = arith.constant 0 : index
    %get3A_1 = arith.constant 0 : index
    %get3A_2 = vector.load %arg2[%get3A, %get3A_0, %get3A_1] : memref<2x10112x16xf32, #tpu.memory_space<vmem>>, vector<1x10000x1xf32>
    %get3A_3 = vector.shape_cast %get3A_2 : vector<1x10000x1xf32> to vector<10000x1xf32>
    %get3A_4 = arith.constant 1 : index
    %get3A_5 = arith.constant 0 : index
    %get3A_6 = arith.constant 0 : index
    %get3A_7 = vector.load %arg2[%get3A_4, %get3A_5, %get3A_6] : memref<2x10112x16xf32, #tpu.memory_space<vmem>>, vector<1x10000x1xf32>
    %get3A_8 = vector.shape_cast %get3A_7 : vector<1x10000x1xf32> to vector<10000x1xf32>
    %add3A = arith.addf %get3A_3, %get3A_8 : vector<10000x1xf32>
    %add3A_9 = arith.constant 1.000000e+00 : f32
    %add3A_10 = vector.broadcast %add3A_9 : f32 to vector<10000x1xf32>
    %add3A_11 = arith.addf %add3A, %add3A_10 : vector<10000x1xf32>
    %rsqrt3A = math.rsqrt %add3A_11 : vector<10000x1xf32>
    %get3A_12 = arith.constant 0 : index
    %get3A_13 = arith.constant 0 : index
    %get3A_14 = vector.load %arg0[%get3A_12, %get3A_13] : memref<10000x128xf32, #tpu.memory_space<vmem>>, vector<10000x128xf32>
    %get3A_15 = arith.constant 0 : index
    %get3A_16 = arith.constant 0 : index
    %get3A_17 = vector.load %arg1[%get3A_15, %get3A_16] : memref<128x16xf32, #tpu.memory_space<vmem>>, vector<128x16xf32>
    %dot_general3A = arith.constant dense<0.000000e+00> : vector<10000x16xf32>
    %dot_general3A_18 = tpu.matmul %get3A_14, %get3A_17, %dot_general3A {dimension_numbers = #tpu.dot_dimension_numbers<[1], [0], [0], [1], [0, 0, 1, 1], [], []>, transpose_lhs_hint = false} : vector<10000x128xf32>, vector<128x16xf32>, vector<10000x16xf32> -> vector<10000x16xf32>
    %mul3A = vector.broadcast %rsqrt3A : vector<10000x1xf32> to vector<10000x16xf32>
    %mul3A_19 = arith.mulf %mul3A, %dot_general3A_18 : vector<10000x16xf32>
    %swap3A = arith.constant 0 : index
    %swap3A_20 = arith.constant 0 : index
    %swap3A_21 = vector.load %arg3[%swap3A, %swap3A_20] : memref<10112x16xf32, #tpu.memory_space<vmem>>, vector<10000x16xf32>
    tpu.vector_store %arg3[%swap3A, %swap3A_20], %mul3A_19 {strides = array<i32>} : memref<10112x16xf32, #tpu.memory_space<vmem>>, vector<10000x16xf32>,
    %broadcast_in_dim3A = arith.constant 0.000000e+00 : f32
    %broadcast_in_dim3A_22 = vector.broadcast %broadcast_in_dim3A : f32 to vector<112x16xf32>
    %swap3A_23 = arith.constant 10000 : index
    %swap3A_24 = arith.constant 0 : index
    %swap3A_25 = vector.load %arg3[%swap3A_23, %swap3A_24] : memref<10112x16xf32, #tpu.memory_space<vmem>>, vector<112x16xf32>
    tpu.vector_store %arg3[%swap3A_23, %swap3A_24], %broadcast_in_dim3A_22 {strides = array<i32>} : memref<10112x16xf32, #tpu.memory_space<vmem>>, vector<112x16xf32>,
    %swap3A_26 = arith.constant 0 : index
    %swap3A_27 = arith.constant 0 : index
    %swap3A_28 = vector.load %arg4[%swap3A_26, %swap3A_27] : memref<10000x1xf32, #tpu.memory_space<vmem>>, vector<10000x1xf32>
    tpu.vector_store %arg4[%swap3A_26, %swap3A_27], %rsqrt3A {strides = array<i32>} : memref<10000x1xf32, #tpu.memory_space<vmem>>, vector<10000x1xf32>,
    return
  }
}

module attributes {stable_mosaic.version = 14 : i64} {
  func.func @body(%arg0: memref<2x10112x16xf32, #tpu.memory_space<vmem>>, %arg1: memref<10112x16xf32, #tpu.memory_space<vmem>>, %arg2: memref<10000x1xf32, #tpu.memory_space<vmem>>, %arg3: memref<1x16xf32, #tpu.memory_space<vmem>>, %arg4: memref<16x10xf32, #tpu.memory_space<vmem>>, %arg5: memref<10112x16xf32, #tpu.memory_space<vmem>>) attributes {dimension_semantics = [], scalar_prefetch = 0 : i64, scratch_operands = 0 : i64, tpu.core_type = #tpu.core_type<tc>} {
    %get3A = arith.constant 0 : index
    %get3A_0 = arith.constant 0 : index
    %get3A_1 = vector.load %arg2[%get3A, %get3A_0] : memref<10000x1xf32, #tpu.memory_space<vmem>>, vector<10000x1xf32>
    %get3A_2 = arith.constant 0 : index
    %get3A_3 = arith.constant 0 : index
    %get3A_4 = arith.constant 0 : index
    %get3A_5 = vector.load %arg0[%get3A_2, %get3A_3, %get3A_4] : memref<2x10112x16xf32, #tpu.memory_space<vmem>>, vector<1x10000x16xf32>
    %get3A_6 = vector.shape_cast %get3A_5 : vector<1x10000x16xf32> to vector<10000x16xf32>
    %get3A_7 = arith.constant 1 : index
    %get3A_8 = arith.constant 0 : index
    %get3A_9 = arith.constant 0 : index
    %get3A_10 = vector.load %arg0[%get3A_7, %get3A_8, %get3A_9] : memref<2x10112x16xf32, #tpu.memory_space<vmem>>, vector<1x10000x16xf32>
    %get3A_11 = vector.shape_cast %get3A_10 : vector<1x10000x16xf32> to vector<10000x16xf32>
    %add3A = arith.addf %get3A_6, %get3A_11 : vector<10000x16xf32>
    %get3A_12 = arith.constant 0 : index
    %get3A_13 = arith.constant 0 : index
    %get3A_14 = vector.load %arg1[%get3A_12, %get3A_13] : memref<10112x16xf32, #tpu.memory_space<vmem>>, vector<10000x16xf32>
    %add3A_15 = arith.addf %add3A, %get3A_14 : vector<10000x16xf32>
    %mul3A = vector.broadcast %get3A_1 : vector<10000x1xf32> to vector<10000x16xf32>
    %mul3A_16 = arith.mulf %mul3A, %add3A_15 : vector<10000x16xf32>
    %get3A_17 = arith.constant 0 : index
    %get3A_18 = arith.constant 0 : index
    %get3A_19 = vector.load %arg3[%get3A_17, %get3A_18] : memref<1x16xf32, #tpu.memory_space<vmem>>, vector<1x16xf32>
    %add3A_20 = vector.broadcast %get3A_19 : vector<1x16xf32> to vector<10000x16xf32>
    %add3A_21 = arith.addf %mul3A_16, %add3A_20 : vector<10000x16xf32>
    %max3A = arith.constant 0.000000e+00 : f32
    %max3A_22 = vector.broadcast %max3A : f32 to vector<10000x16xf32>
    %max3A_23 = arith.maximumf %add3A_21, %max3A_22 : vector<10000x16xf32>
    %get3A_24 = arith.constant 0 : index
    %get3A_25 = arith.constant 0 : index
    %get3A_26 = vector.load %arg4[%get3A_24, %get3A_25] : memref<16x10xf32, #tpu.memory_space<vmem>>, vector<16x10xf32>
    %dot_general3A = arith.constant dense<0.000000e+00> : vector<10000x10xf32>
    %dot_general3A_27 = tpu.matmul %max3A_23, %get3A_26, %dot_general3A {dimension_numbers = #tpu.dot_dimension_numbers<[1], [0], [0], [1], [0, 0, 1, 1], [], []>, transpose_lhs_hint = false} : vector<10000x16xf32>, vector<16x10xf32>, vector<10000x10xf32> -> vector<10000x10xf32>
    %get3A_28 = arith.constant 0 : index
    %get3A_29 = arith.constant 0 : index
    %get3A_30 = vector.load %arg2[%get3A_28, %get3A_29] : memref<10000x1xf32, #tpu.memory_space<vmem>>, vector<10000x1xf32>
    %broadcast_in_dim3A = arith.constant 0.000000e+00 : f32
    %broadcast_in_dim3A_31 = vector.broadcast %broadcast_in_dim3A : f32 to vector<10000x6xf32>
    %concatenate3A = tpu.concatenate %dot_general3A_27, %broadcast_in_dim3A_31 in 1 : vector<10000x10xf32>, vector<10000x6xf32> -> vector<10000x16xf32>
    %mul3A_32 = vector.broadcast %get3A_30 : vector<10000x1xf32> to vector<10000x16xf32>
    %mul3A_33 = arith.mulf %mul3A_32, %concatenate3A : vector<10000x16xf32>
    %swap3A = arith.constant 0 : index
    %swap3A_34 = arith.constant 0 : index
    %swap3A_35 = vector.load %arg5[%swap3A, %swap3A_34] : memref<10112x16xf32, #tpu.memory_space<vmem>>, vector<10000x16xf32>
    tpu.vector_store %arg5[%swap3A, %swap3A_34], %mul3A_33 {strides = array<i32>} : memref<10112x16xf32, #tpu.memory_space<vmem>>, vector<10000x16xf32>,
    %broadcast_in_dim3A_36 = arith.constant 0.000000e+00 : f32
    %broadcast_in_dim3A_37 = vector.broadcast %broadcast_in_dim3A_36 : f32 to vector<112x16xf32>
    %swap3A_38 = arith.constant 10000 : index
    %swap3A_39 = arith.constant 0 : index
    %swap3A_40 = vector.load %arg5[%swap3A_38, %swap3A_39] : memref<10112x16xf32, #tpu.memory_space<vmem>>, vector<112x16xf32>
    tpu.vector_store %arg5[%swap3A_38, %swap3A_39], %broadcast_in_dim3A_37 {strides = array<i32>} : memref<10112x16xf32, #tpu.memory_space<vmem>>, vector<112x16xf32>,
    return
  }
}

module attributes {stable_mosaic.version = 14 : i64} {
  func.func @body(%arg0: memref<2x10112x16xf32, #tpu.memory_space<vmem>>, %arg1: memref<10112x16xf32, #tpu.memory_space<vmem>>, %arg2: memref<10000x1xf32, #tpu.memory_space<vmem>>, %arg3: memref<1x10xf32, #tpu.memory_space<vmem>>, %arg4: memref<10000x10xf32, #tpu.memory_space<vmem>>) attributes {dimension_semantics = [], scalar_prefetch = 0 : i64, scratch_operands = 0 : i64, tpu.core_type = #tpu.core_type<tc>} {
    %get3A = arith.constant 0 : index
    %get3A_0 = arith.constant 0 : index
    %get3A_1 = vector.load %arg2[%get3A, %get3A_0] : memref<10000x1xf32, #tpu.memory_space<vmem>>, vector<10000x1xf32>
    %get3A_2 = arith.constant 0 : index
    %get3A_3 = arith.constant 0 : index
    %get3A_4 = arith.constant 0 : index
    %get3A_5 = vector.load %arg0[%get3A_2, %get3A_3, %get3A_4] : memref<2x10112x16xf32, #tpu.memory_space<vmem>>, vector<1x10000x10xf32>
    %get3A_6 = vector.shape_cast %get3A_5 : vector<1x10000x10xf32> to vector<10000x10xf32>
    %get3A_7 = arith.constant 1 : index
    %get3A_8 = arith.constant 0 : index
    %get3A_9 = arith.constant 0 : index
    %get3A_10 = vector.load %arg0[%get3A_7, %get3A_8, %get3A_9] : memref<2x10112x16xf32, #tpu.memory_space<vmem>>, vector<1x10000x10xf32>
    %get3A_11 = vector.shape_cast %get3A_10 : vector<1x10000x10xf32> to vector<10000x10xf32>
    %add3A = arith.addf %get3A_6, %get3A_11 : vector<10000x10xf32>
    %get3A_12 = arith.constant 0 : index
    %get3A_13 = arith.constant 0 : index
    %get3A_14 = vector.load %arg1[%get3A_12, %get3A_13] : memref<10112x16xf32, #tpu.memory_space<vmem>>, vector<10000x10xf32>
    %add3A_15 = arith.addf %add3A, %get3A_14 : vector<10000x10xf32>
    %mul3A = vector.broadcast %get3A_1 : vector<10000x1xf32> to vector<10000x10xf32>
    %mul3A_16 = arith.mulf %mul3A, %add3A_15 : vector<10000x10xf32>
    %get3A_17 = arith.constant 0 : index
    %get3A_18 = arith.constant 0 : index
    %get3A_19 = vector.load %arg3[%get3A_17, %get3A_18] : memref<1x10xf32, #tpu.memory_space<vmem>>, vector<1x10xf32>
    %add3A_20 = vector.broadcast %get3A_19 : vector<1x10xf32> to vector<10000x10xf32>
    %add3A_21 = arith.addf %mul3A_16, %add3A_20 : vector<10000x10xf32>
    %swap3A = arith.constant 0 : index
    %swap3A_22 = arith.constant 0 : index
    %swap3A_23 = vector.load %arg4[%swap3A, %swap3A_22] : memref<10000x10xf32, #tpu.memory_space<vmem>>, vector<10000x10xf32>
    tpu.vector_store %arg4[%swap3A, %swap3A_22], %add3A_21 {strides = array<i32>} : memref<10000x10xf32, #tpu.memory_space<vmem>>, vector<10000x10xf32>,
    return
  }
}

</mosaic_0001>

<sc_bundles>
// kernel: kernel.11.cloned.1.call-start
scs
__scs_entry_jumppad:
0x0: {  	(pc) =	sbr.rel $0x88, $3  }
0x1: {  	(tag) =	ssettag $0x0;
	lr =	simm.s32 $0x1  }
0x2: {  	[smem:$0x3F9B] =	sst lr;
	_ =	strace $0xD0000000  }
0x3: {  	_ = 	snop  }
0x4: {  	_ = 	snop  }
0x5: {  	_ = 	snop  }
0x6: {  	_ = 	snop  }
0x7: {  	_ = 	snop  }
__scs_overlays_trampoline_lowered:
0x8: {  	[smem:$0x3FAA] =	sst s0  }
0x9: {  	[smem:$0x3FAB] =	sst s1  }
0xa: {  	[smem:$0x3FAC] =	sst s2  }
0xb: {  	[smem:$0x3FAD] =	sst s3  }
0xc: {  	[smem:$0x3FAE] =	sst s4  }
0xd: {  	[smem:$0x3FAF] =	sst s5  }
0xe: {  	[smem:$0x3FB0] =	sst s6  }
0xf: {  	[smem:$0x3FB1] =	sst s7  }
0x10: {  	[smem:$0x3FB2] =	sst s8  }
0x11: {  	[smem:$0x3FB3] =	sst s9;
	s0 =	simm.s32 @!p0 $0x0  }
0x12: {  	s1 =	sld [smem:$0x3F99];
	s0 =	simm.s32 @p0 $0x1  }
0x13: {  	[smem:$0x3FB4] =	sst s0;
	s0 =	simm.s32 @!p1 $0x0  }
0x14: {  	s2 =	sld [smem:$0x3F98];
	s0 =	simm.s32 @p1 $0x1  }
0x15: {  	[smem:$0x3FB5] =	sst s0;
	s0 =	simm.s32 @!p2 $0x0  }
0x16: {  	s3 =	sld [smem:$0x3FDB];
	s0 =	simm.s32 @p2 $0x1  }
0x17: {  	s4 =	simm.s32 $0x1BF5;
	[smem:$0x3FB7] =	sst s0  }
0x18: {  	s0 =	sld [smem:$0x3F9A];
	_ =	swait.ge [sflag:s4], $0x0  }
0x19: {  	s7 =	sld [smem:$0x3F9B]  }
0x1a: {  	s8 =	sadd.s32 $0xFFFFE003, lr  }
0x1b: {  	s9 =	sadd.s32 $0xFFFFFEF7, lr;
	s5 =	simm.s32 $0xFFFFFFFF;
	p2 =	slt.u32 s8, $0xFFFFF086  }
0x1c: {  	p1 =	slt.u32 s9, $0xF7A;
	s5 =	simm.s32 @!p2 $0x0  }
0x1d: {  	s5 =	simm.s32 @p1 $0x1;
	p0 =	seq.s32 s7, s2  }
0x1e: {  	s7 =	smul.u32 @!p0 $0xF7A, s2;
	p2 =	seq.s32 @!p0 s5, $0x0  }
0x1f: {  	s9 =	smul.u32 $0xF7A, s1;
	s8 =	simm.s32 @!p0 $0x1BF5;
	p2 =	por !p2, p0  }
0x20: {  	[sflag:s8] =	ssyncset.s32 @!p0 $0xFFFFF086;
	s6 =	sadd.s32 @!p0 s3, s7;
	s7 =	simm.s32 @!p0 $0x108  }
0x21: {  	s3 =	sadd.s32 s3, s9;
	s6 =	sadd.s32 @!p0 $0x88, s6;
	s7 =	simm.s32 @p2 $0x1082  }
0x22: {  	[simem:s7], [sflag:s8] =	dma.local @!p0 [hbm:s6], $0xF7A  }
0x23: {  	s9 =	sor.u32 $0xD0000000, s2;
	s6 =	simm.s32 $0x108;
	_ =	swait.ge @!p0 [sflag:s8], $0x0  }
0x24: {  	s3 =	sadd.s32 $0x88, s3;
	s6 =	simm.s32 @!p1 $0x1082;
	[sflag:s4] =	ssyncset.s32 $0xFFFFF086  }
0x25: {  	[simem:s6], [sflag:s4] =	dma.local [hbm:s3], $0xF7A  }
0x26: {  	[smem:$0x3F9B] =	sst s1;
	(tag) =	ssettag s2;
	_ =	strace s9  }
0x27: {  	s1 =	sld [smem:$0x3FAB]  }
0x28: {  	s2 =	sld [smem:$0x3FAC]  }
0x29: {  	s4 =	sld [smem:$0x3FAE]  }
0x2a: {  	p0 =	seq.s32 s5, $0x0;
	s5 =	sld [smem:$0x3FAF]  }
0x2b: {  	s6 =	sld [smem:$0x3FB0]  }
0x2c: {  	s7 =	sld [smem:$0x3FB1]  }
0x2d: {  	s3 =	simm.s32 $0x108;
	s8 =	sld [smem:$0x3FB2]  }
0x2e: {  	s3 =	simm.s32 @!p0 $0x1082;
	s9 =	sld [smem:$0x3FB3]  }
0x2f: {  	lr =	sadd.s32 s0, s3;
	s0 =	sld [smem:$0x3FAA]  }
0x30: {  	s3 =	sld [smem:$0x3FAD]  }
0x31: {  	[smem:$0x3FB6] =	sst s10  }
0x32: {  	s10 =	sld [smem:$0x3FB4];
	_ =	sdelay $0x3  }
0x33: {  	p0 =	seq.s32 s10, $0x1;
	s10 =	sld [smem:$0x3FB6];
	_ =	sdelay $0x3  }
0x34: {  	[smem:$0x3FB6] =	sst s10  }
0x35: {  	s10 =	sld [smem:$0x3FB5];
	_ =	sdelay $0x3  }
0x36: {  	p1 =	seq.s32 s10, $0x1;
	s10 =	sld [smem:$0x3FB6];
	_ =	sdelay $0x3  }
0x37: {  	[smem:$0x3FB6] =	sst s10  }
0x38: {  	s10 =	sld [smem:$0x3FB7]  }
0x39: {  	_ = 	snop;
	(pc) =	sbr.ind lr, $3  }
0x3a: {  	_ = 	snop  }
0x3b: {  	_ = 	snop  }
0x3c: {  	p2 =	seq.s32 s10, $0x1;
	s10 =	sld [smem:$0x3FB6]  }
0x3d: {  	_ =	shalt  }
0x3e: {  	_ =	shalt  }
0x3f: {  	_ =	shalt  }
0x40: {  	_ =	shalt  }
0x41: {  	_ =	shalt  }
0x42: {  	_ =	shalt  }
0x43: {  	_ =	shalt  }
0x44: {  	_ =	shalt  }
0x45: {  	_ =	shalt  }
0x46: {  	_ =	shalt  }
0x47: {  	_ =	shalt  }
0x48: {  	_ =	shalt  }
0x49: {  	_ =	shalt  }
0x4a: {  	_ =	shalt  }
0x4b: {  	_ =	shalt  }
0x4c: {  	_ =	shalt  }
0x4d: {  	_ =	shalt  }
0x4e: {  	_ =	shalt  }
0x4f: {  	_ =	shalt  }
0x50: {  	_ =	shalt  }
0x51: {  	_ =	shalt  }
0x52: {  	_ =	shalt  }
0x53: {  	_ =	shalt  }
0x54: {  	_ =	shalt  }
0x55: {  	_ =	shalt  }
0x56: {  	_ =	shalt  }
0x57: {  	_ =	shalt  }
0x58: {  	_ =	shalt  }
0x59: {  	_ =	shalt  }
0x5a: {  	_ =	shalt  }
0x5b: {  	_ =	shalt  }
0x5c: {  	_ =	shalt  }
0x5d: {  	_ =	shalt  }
0x5e: {  	_ =	shalt  }
0x5f: {  	_ =	shalt  }
0x60: {  	_ =	shalt  }
0x61: {  	_ =	shalt  }
0x62: {  	_ =	shalt  }
0x63: {  	_ =	shalt  }
0x64: {  	_ =	shalt  }
0x65: {  	_ =	shalt  }
0x66: {  	_ =	shalt  }
0x67: {  	_ =	shalt  }
0x68: {  	_ =	shalt  }
0x69: {  	_ =	shalt  }
0x6a: {  	_ =	shalt  }
0x6b: {  	_ =	shalt  }
0x6c: {  	_ =	shalt  }
0x6d: {  	_ =	shalt  }
0x6e: {  	_ =	shalt  }
0x6f: {  	_ =	shalt  }
0x70: {  	_ =	shalt  }
0x71: {  	_ =	shalt  }
0x72: {  	_ =	shalt  }
0x73: {  	_ =	shalt  }
0x74: {  	_ =	shalt  }
0x75: {  	_ =	shalt  }
0x76: {  	_ =	shalt  }
0x77: {  	_ =	shalt  }
0x78: {  	_ =	shalt  }
0x79: {  	_ =	shalt  }
0x7a: {  	_ =	shalt  }
0x7b: {  	_ =	shalt  }
0x7c: {  	_ =	shalt  }
0x7d: {  	_ =	shalt  }
0x7e: {  	_ =	shalt  }
0x7f: {  	_ =	shalt  }
0x80: {  	_ =	shalt  }
0x81: {  	_ =	shalt  }
0x82: {  	_ =	shalt  }
0x83: {  	_ =	shalt  }
0x84: {  	_ =	shalt  }
0x85: {  	_ =	shalt  }
0x86: {  	_ =	shalt  }
0x87: {  	_ =	shalt  }
.Lfunc_end0:
.L_simem_size_0:
called_computation.1_lowered:
.L_overlay_start_0:
0x88: {  	s2 =	sld [smem:$0x3FD9]  }
0x89: {  	s3 =	sld [smem:$0x3FFE];
	_ =	sdelay $0x1  }
0x8a: {  	s1 =	srdreg.scid  }
0x8b: {  	s0 =	sand.u32 $0x1, s1  }
0x8c: {  	s17 =	sshll.u32 s0, $0xA;
	s2 =	sadd.s32 s3, s2  }
0x8d: {  	s2 =	sadd.s32 s2, s17  }
0x8e: {  	[smem:$0x3FC2] =	sst s2  }
0x8f: {  	_ = 	snop  }
0x90: {  	s2 =	sld [smem:$0x3FD0];
	(tm) =	ssettm $0x1  }
0x91: {  	s18 =	sld [smem:$0x3FFB];
	_ =	sdelay $0x3  }
0x92: {  	_ =	strace s18  }
0x93: {  	s3 =	sld [smem:$0x3FFC];
	_ =	sdelay $0x3  }
0x94: {  	_ =	strace s3  }
0x95: {  	s3 =	sld [smem:$0x3FFD];
	_ =	sdelay $0x3  }
0x96: {  	_ =	strace s3  }
0x97: {  	_ =	strace $0x8FFFFFFF  }
0x98: {  	s19 =	sld [smem:$0x3FDB];
	_ =	sdelay $0x1  }
0x99: {  	s4 =	simm.s32 $_scs_section_size  }
0x9a: {  	s5 =	simm.s32 $_size__tile_overlayer_lowered;
	s6 =	simm.s32 $_tile_overlayer_lowered  }
0x9b: {  	s22 =	simm.s32 $0x1BFF;
	s21 =	sshll.u32 s6, $0x1;
	s3 =	sadd.s32 s4, s19  }
0x9c: {  	s7 =	simm.s32 $0x0;
	s20 =	sshll.u32 s5, $0x1;
	s5 =	sadd.s32 s21, s3  }
0x9d: {  	[timem:s7], [sflag:s22] =	dma.local [hbm:s5], s20  }
0x9e: {  	_ =	swait.ge [sflag:s22], s20  }
0x9f: {  	s4 =	ssub.s32 $0x0, s20;
	[sflag:s22] =	ssyncset.done $0x0  }
0xa0: {  	[sflag:s22] =	ssyncadd.s32 s4;
	_ =	sdelay $0x1  }
0xa1: {  	s23 =	simm.s32 $0x1B8B  }
0xa2: {  	_ =	swait.ge [sflag:s23], $0x1  }
0xa3: {  	[sflag:s23] =	ssyncset.done $0x0  }
0xa4: {  	s25 =	simm.s32 $0x1B8E;
	s24 =	sld [smem:$0x3FFE];
	[sflag:s23] =	ssyncadd.s32 $0xFFFFFFFF  }
0xa5: {  	s26 =	simm.s32 $execute0_lowered;
	[smem:$0x3FD2] =	sst s25  }
0xa6: {  	s5 =	sshll.u32 s26, $0x1;
	_ =	strace $0x80000049;
	[dreg:$0x1] =	wrdreg $0xFFFFFFFF  }
0xa7: {  	s28 =	simm.s32 $_size_execute0_lowered;
	s3 =	sadd.s32 s3, s5;
	[dreg:$0x0] =	wrdreg $0x0  }
0xa8: {  	s5 =	sshll.u32 s28, $0x1;
	[dreg:$0x2] =	wrdreg s3  }
0xa9: {  	[dreg:$0x3] =	wrdreg s5  }
0xaa: {  	[dreg:$0x4] =	wrdreg $0xC0  }
0xab: {  	_ =	task [dreg:s7], $0x5FFFF  }
0xac: {  	[dreg:$0x1] =	wrdreg $0xFFFFFFFF  }
0xad: {  	[dreg:$0x0] =	wrdreg $0x60  }
0xae: {  	[dreg:$0x2] =	wrdreg s24  }
0xaf: {  	[dreg:$0x3] =	wrdreg s2  }
0xb0: {  	[dreg:$0x4] =	wrdreg $0x67200  }
0xb1: {  	[dreg:$0x5] =	wrdreg $0x8EA00  }
0xb2: {  	[dreg:$0x6] =	wrdreg $0x9  }
0xb3: {  	_ =	task.clear_ibuf [dreg:s7], $0x7FFFF;
	_ =	strace $0x90000049  }
0xb4: {  	s29 =	simm.s32 $0x9;
	_ =	strace $0x8000004B  }
0xb5: {  	_ =	swait.ge [sflag:s29], $0x1  }
0xb6: {  	[sflag:s29] =	ssyncadd.s32 $0xFFFFFFFF  }
0xb7: {  	_ =	strace $0x9000004B  }
0xb8: {  	_ =	sfence  }
0xb9: {  	s30 =	sld [smem:$0x0];
	_ =	sdelay $0x2  }
0xba: {  	s31 =	sshll.u32 s1, $0xD;
	s1 =	sshrl.u32 s1, $0x2  }
0xbb: {  	s3 =	sand.u32 $0x4000, s31;
	s1 =	sadd.s32 s1, s30  }
0xbc: {  	s0 =	sor.u32 s3, s0;
	s1 =	sshll.u32 s1, $0x11  }
0xbd: {  	s0 =	sor.u32 s1, s0  }
0xbe: {  	s0 =	sadd.s32 $0x8F2B, s0  }
0xbf: {  	[sflag:s0] =	ssyncadd.remote.s32 $0x1  }
0xc0: {  	_ =	sfence.sel $0xFFFF  }
0xc1: {  	[dreg:$0x0] =	wrdreg $0xFFFFFFFF;
	(pc) =	sbr.abs _section_cstart, $3  }
0xc2: {  	[dreg:$0x1] =	wrdreg $0xFFFFFFFF  }
0xc3: {  	_ =	task.clear_ibuf [dreg:s7], $0x2FFFF;
	_ =	strace $0x9FFFFFFF  }
0xc4: {  	(tm) =	ssettm $0x7FFFFFFF  }
0xc5: {  	_ =	shalt  }
tec
execute0_lowered:
.L_overlay_start_1:
0x0: {  	(tag) =	ssettag $0x1  }
0x1: {  	s0 =	rddreg [dreg:$0x0];
	s1 =	srdreg.scid  }
0x2: {  	s12 =	stileid.u32;
	s5 =	rddreg [dreg:$0x1]  }
0x3: {  	s2 =	rddreg [dreg:$0x2];
	s13 =	simm.s32 $0x3;
	s16 =	simm.s32 $0x50  }
0x4: {  	s17 =	simm.s32 $0x4E20;
	s18 =	simm.s32 $0x5320;
	s20 =	simm.s32 $0x5820  }
0x5: {  	s22 =	simm.s32 $0x5D20;
	s23 =	simm.s32 $0x140;
	s28 =	simm.s32 $0x4C90  }
0x6: {  	s29 =	simm.s32 $0x4CE0;
	s30 =	simm.s32 $0x4D30;
	s31 =	simm.s32 $0x4D80  }
0x7: {  	s1 =	sand.u32 $0x1, s1;
	s3 =	sshll.u32 s12, $0x1;
	s7 =	smul.u32 $0x2780, s12  }
0x8: {  	s25 =	sshll.u32 s12, $0x6;
	s4 =	sor.u32 s1, s3;
	s8 =	smul.u32 $0x27800, s1  }
0x9: {  	s3 =	rddreg [dreg:$0x3];
	s1 =	ssub.s32 $0x2, s1;
	s6 =	smul.u32 $0x4E2, s4  }
0xa: {  	s4 =	simm.s32 $0x0;
	s24 =	sshrl.u32 s7, $0x3;
	s11 =	sshrl.u32 s1, $0x1  }
0xb: {  	s26 =	sadd.s32 s7, s2;
	s14 =	sadd.s32 s7, s3;
	[smem:$0x7FF] =	sst s4  }
0xc: {  	s8 =	sadd.s32 s7, s8;
	s10 =	sadd.s32 s24, s0;
	s1 =	ssub.s32 s1, s11  }
0xd: {  	s5 =	sadd.s32 s5, s24;
	s12 =	sshrl.u32 s26, $0x3;
	s14 =	sshrl.u32 s14, $0x3  }
0xe: {  	s24 =	simm.s32 $0x6220;
	s26 =	simm.s32 $0x2;
	_ =	strace $0x8000004A  }
0xf: {  	s9 =	sadd.s32 s6, s0;
	s8 =	sshrl.u32 s8, $0x3;
	s6 =	sor.u32 $0x1C03, s25  }
0x10: {  	s7 =	sadd.s32 $0x15200, s10;
	s11 =	smax.u32 s1, $0x1;
	s25 =	simm.s32 $0x1  }
0x11: {  	s1 =	simm.s32 $0x4DD0;
	s0 =	sadd.s32 s8, s0;
	s8 =	sadd.s32 $0xB400, s9  }
0x12: {  	s9 =	sadd.s32 $0x1600, s9;
	s10 =	sadd.s32 $0x1A200, s0;
	s0 =	simm.s32 $0x0  }
.LBB2_1:
0x13: {  	[spmem:s12], [sflag:s6] =	dma.local [hbm:s5], $0x4F0  }
0x14: {  	_ =	swait.ge [sflag:s13], $0x4F0  }
0x15: {  	[sflag:s13] =	ssyncset.done $0x0  }
0x16: {  	[sflag:s13] =	ssyncadd.s32 $0xFFFFFB10  }
0x17: {  	[spmem:s14], [sflag:s6] =	dma.local [hbm:s7], $0x4F0  }
0x18: {  	_ =	swait.ge [sflag:s13], $0x4F0  }
0x19: {  	[sflag:s13] =	ssyncset.done $0x0  }
0x1a: {  	[sflag:s13] =	ssyncadd.s32 $0xFFFFFB10  }
0x1b: {  	[bflag:$0x0] =	sbarrier.arrive $0xFFFF  }
0x1c: {  	[tilespmem:s4], [sflag:$0x3] =	stream.linear.gather [hbm4b:s8+s4], $0x2710, $0x38;
	[tilespmem:$0xB620] =	vst v63  }
0x1d: {  	_ =	swait.ge [sflag:s13], $0x2710  }
0x1e: {  	[sflag:s13] =	ssyncset.done $0x0  }
0x1f: {  	s15 =	simm.s32 $0x2710;
	[sflag:s13] =	ssyncadd.s32 $0xFFFFD8F0  }
0x20: {  	[tilespmem:s15], [sflag:$0x3] =	stream.linear.gather [hbm4b:s9+s4], $0x2710, $0x38;
	[tilespmem:$0xB620] =	vst v63  }
0x21: {  	_ =	swait.ge [sflag:s13], $0x2710  }
0x22: {  	[sflag:s13] =	ssyncset.done $0x0  }
0x23: {  	[sflag:s13] =	ssyncadd.s32 $0xFFFFD8F0  }
0x24: {  	[tilespmem:s17], [sflag:$0x1] =	stream.indirect.gather [spmem:s3], $0x10, s4, s16, $0xb8;
	[tilespmem:$0xB620] =	vst v63  }
0x25: {  	_ = 	snop  }
0x26: {  	[tilespmem:s18], [sflag:$0x1] =	stream.indirect.gather [spmem:s3], $0x10, s16, s16, $0xb8;
	[tilespmem:$0xB620] =	vst v63  }
0x27: {  	s21 =	simm.s32 $0xA0  }
0x28: {  	[tilespmem:s20], [sflag:$0x1] =	stream.indirect.gather [spmem:s3], $0x10, s21, s16, $0xb8;
	[tilespmem:$0xB620] =	vst v63  }
0x29: {  	s19 =	simm.s32 $0xF0  }
0x2a: {  	[tilespmem:s22], [sflag:$0x1] =	stream.indirect.gather [spmem:s3], $0x10, s19, s16, $0xb8;
	[tilespmem:$0xB620] =	vst v63  }
0x2b: {  	_ = 	snop  }
0x2c: {  	[tilespmem:s24], [sflag:$0x1] =	stream.indirect.gather [spmem:s3], $0x10, s23, s16, $0xb8;
	[tilespmem:$0xB620] =	vst v63  }
0x2d: {  	_ =	swait.ge [sflag:s25], $0x500  }
0x2e: {  	[sflag:s25] =	ssyncset.done $0x0  }
0x2f: {  	s21 =	simm.s32 $0x2710;
	[sflag:s25] =	ssyncadd.s32 $0xFFFFFB00  }
0x30: {  	[spmem:s2] =	stream.indirect.scatter.add.f32 [tilespmem:s17], [sflag:$0x2], $0x10, s21, s16, $0xb8;
	[tilespmem:$0xB620] =	vst v63  }
0x31: {  	_ =	swait.ge [sflag:s26], $0x500  }
0x32: {  	[sflag:s26] =	ssyncset.done $0x0  }
0x33: {  	s19 =	simm.s32 $0x190;
	[sflag:s26] =	ssyncadd.s32 $0xFFFFFB00  }
0x34: {  	[tilespmem:s17], [sflag:$0x1] =	stream.indirect.gather [spmem:s3], $0x10, s19, s16, $0xb8;
	[tilespmem:$0xB620] =	vst v63  }
0x35: {  	_ =	swait.ge [sflag:s25], $0x500  }
0x36: {  	[sflag:s25] =	ssyncset.done $0x0  }
0x37: {  	s21 =	simm.s32 $0x2760;
	[sflag:s25] =	ssyncadd.s32 $0xFFFFFB00  }
0x38: {  	[spmem:s2] =	stream.indirect.scatter.add.f32 [tilespmem:s18], [sflag:$0x2], $0x10, s21, s16, $0xb8;
	[tilespmem:$0xB620] =	vst v63  }
0x39: {  	_ =	swait.ge [sflag:s26], $0x500  }
0x3a: {  	[sflag:s26] =	ssyncset.done $0x0  }
0x3b: {  	s19 =	simm.s32 $0x1E0;
	[sflag:s26] =	ssyncadd.s32 $0xFFFFFB00  }
0x3c: {  	[tilespmem:s18], [sflag:$0x1] =	stream.indirect.gather [spmem:s3], $0x10, s19, s16, $0xb8;
	[tilespmem:$0xB620] =	vst v63  }
0x3d: {  	_ =	swait.ge [sflag:s25], $0x500  }
0x3e: {  	[sflag:s25] =	ssyncset.done $0x0  }
0x3f: {  	s21 =	simm.s32 $0x27B0;
	[sflag:s25] =	ssyncadd.s32 $0xFFFFFB00  }
0x40: {  	[spmem:s2] =	stream.indirect.scatter.add.f32 [tilespmem:s20], [sflag:$0x2], $0x10, s21, s16, $0xb8;
	[tilespmem:$0xB620] =	vst v63  }
0x41: {  	_ =	swait.ge [sflag:s26], $0x500  }
0x42: {  	[sflag:s26] =	ssyncset.done $0x0  }
0x43: {  	s19 =	simm.s32 $0x230;
	[sflag:s26] =	ssyncadd.s32 $0xFFFFFB00  }
0x44: {  	[tilespmem:s20], [sflag:$0x1] =	stream.indirect.gather [spmem:s3], $0x10, s19, s16, $0xb8;
	[tilespmem:$0xB620] =	vst v63  }
0x45: {  	_ =	swait.ge [sflag:s25], $0x500  }
0x46: {  	[sflag:s25] =	ssyncset.done $0x0  }
0x47: {  	s21 =	simm.s32 $0x2800;
	[sflag:s25] =	ssyncadd.s32 $0xFFFFFB00  }
0x48: {  	[spmem:s2] =	stream.indirect.scatter.add.f32 [tilespmem:s22], [sflag:$0x2], $0x10, s21, s16, $0xb8;
	[tilespmem:$0xB620] =	vst v63  }
0x49: {  	_ =	swait.ge [sflag:s26], $0x500  }
0x4a: {  	[sflag:s26] =	ssyncset.done $0x0  }
0x4b: {  	s19 =	simm.s32 $0x280;
	[sflag:s26] =	ssyncadd.s32 $0xFFFFFB00  }
0x4c: {  	[tilespmem:s22], [sflag:$0x1] =	stream.indirect.gather [spmem:s3], $0x10, s19, s16, $0xb8;
	[tilespmem:$0xB620] =	vst v63  }
0x4d: {  	_ =	swait.ge [sflag:s25], $0x500  }
0x4e: {  	[sflag:s25] =	ssyncset.done $0x0  }
0x4f: {  	s21 =	simm.s32 $0x2850;
	[sflag:s25] =	ssyncadd.s32 $0xFFFFFB00  }
0x50: {  	[spmem:s2] =	stream.indirect.scatter.add.f32 [tilespmem:s24], [sflag:$0x2], $0x10, s21, s16, $0xb8;
	[tilespmem:$0xB620] =	vst v63  }
0x51: {  	_ =	swait.ge [sflag:s26], $0x500  }
0x52: {  	[sflag:s26] =	ssyncset.done $0x0  }
0x53: {  	s15 =	simm.s32 $0x640;
	s19 =	simm.s32 $0x2D0;
	[sflag:s26] =	ssyncadd.s32 $0xFFFFFB00  }
.LBB2_2:
0x54: {  	[tilespmem:s24], [sflag:$0x1] =	stream.indirect.gather [spmem:s3], $0x10, s19, s16, $0xb8;
	[tilespmem:$0xB620] =	vst v63  }
0x55: {  	s19 =	smov.u32 s15  }
0x56: {  	p0 =	sne.s32 s15, $0x8FC0;
	s15 =	sadd.s32 $0x640, s15;
	_ =	swait.ge [sflag:s25], $0x500  }
0x57: {  	s19 =	sshra.s32 s19, $0x2;
	[sflag:s25] =	ssyncset.done $0x0  }
0x58: {  	s21 =	sadd.s32 $0x2710, s19;
	[sflag:s25] =	ssyncadd.s32 $0xFFFFFB00  }
0x59: {  	[spmem:s2] =	stream.indirect.scatter.add.f32 [tilespmem:s17], [sflag:$0x2], $0x10, s21, s16, $0xb8;
	[tilespmem:$0xB620] =	vst v63  }
0x5a: {  	_ =	swait.ge [sflag:s26], $0x500  }
0x5b: {  	[sflag:s26] =	ssyncset.done $0x0  }
0x5c: {  	s21 =	sadd.s32 $0x190, s19;
	[sflag:s26] =	ssyncadd.s32 $0xFFFFFB00  }
0x5d: {  	[tilespmem:s17], [sflag:$0x1] =	stream.indirect.gather [spmem:s3], $0x10, s21, s16, $0xb8;
	[tilespmem:$0xB620] =	vst v63  }
0x5e: {  	_ =	swait.ge [sflag:s25], $0x500  }
0x5f: {  	[sflag:s25] =	ssyncset.done $0x0  }
0x60: {  	s21 =	sadd.s32 $0x2760, s19;
	[sflag:s25] =	ssyncadd.s32 $0xFFFFFB00  }
0x61: {  	[spmem:s2] =	stream.indirect.scatter.add.f32 [tilespmem:s18], [sflag:$0x2], $0x10, s21, s16, $0xb8;
	[tilespmem:$0xB620] =	vst v63  }
0x62: {  	_ =	swait.ge [sflag:s26], $0x500  }
0x63: {  	[sflag:s26] =	ssyncset.done $0x0  }
0x64: {  	s21 =	sadd.s32 $0x1E0, s19;
	[sflag:s26] =	ssyncadd.s32 $0xFFFFFB00  }
0x65: {  	[tilespmem:s18], [sflag:$0x1] =	stream.indirect.gather [spmem:s3], $0x10, s21, s16, $0xb8;
	[tilespmem:$0xB620] =	vst v63  }
0x66: {  	_ =	swait.ge [sflag:s25], $0x500  }
0x67: {  	[sflag:s25] =	ssyncset.done $0x0  }
0x68: {  	s21 =	sadd.s32 $0x27B0, s19;
	[sflag:s25] =	ssyncadd.s32 $0xFFFFFB00  }
0x69: {  	[spmem:s2] =	stream.indirect.scatter.add.f32 [tilespmem:s20], [sflag:$0x2], $0x10, s21, s16, $0xb8;
	[tilespmem:$0xB620] =	vst v63  }
0x6a: {  	_ =	swait.ge [sflag:s26], $0x500  }
0x6b: {  	[sflag:s26] =	ssyncset.done $0x0  }
0x6c: {  	s21 =	sadd.s32 $0x230, s19;
	[sflag:s26] =	ssyncadd.s32 $0xFFFFFB00  }
0x6d: {  	[tilespmem:s20], [sflag:$0x1] =	stream.indirect.gather [spmem:s3], $0x10, s21, s16, $0xb8;
	[tilespmem:$0xB620] =	vst v63  }
0x6e: {  	_ =	swait.ge [sflag:s25], $0x500  }
0x6f: {  	[sflag:s25] =	ssyncset.done $0x0  }
0x70: {  	s21 =	sadd.s32 $0x2800, s19;
	[sflag:s25] =	ssyncadd.s32 $0xFFFFFB00  }
0x71: {  	[spmem:s2] =	stream.indirect.scatter.add.f32 [tilespmem:s22], [sflag:$0x2], $0x10, s21, s16, $0xb8;
	[tilespmem:$0xB620] =	vst v63  }
0x72: {  	_ =	swait.ge [sflag:s26], $0x500  }
0x73: {  	[sflag:s26] =	ssyncset.done $0x0  }
0x74: {  	s21 =	sadd.s32 $0x280, s19;
	[sflag:s26] =	ssyncadd.s32 $0xFFFFFB00  }
0x75: {  	[tilespmem:s22], [sflag:$0x1] =	stream.indirect.gather [spmem:s3], $0x10, s21, s16, $0xb8;
	[tilespmem:$0xB620] =	vst v63  }
0x76: {  	_ =	swait.ge [sflag:s25], $0x500  }
0x77: {  	[sflag:s25] =	ssyncset.done $0x0  }
.Ltmp0:
0x78: {  	s21 =	sadd.s32 $0x2850, s19;
	[sflag:s25] =	ssyncadd.s32 $0xFFFFFB00;
	(pc) =	sbr.rel @p0 .LBB2_2-.Ltmp0, $4  }
0x79: {  	[spmem:s2] =	stream.indirect.scatter.add.f32 [tilespmem:s24], [sflag:$0x2], $0x10, s21, s16, $0xb8;
	[tilespmem:$0xB620] =	vst v63  }
0x7a: {  	_ =	swait.ge [sflag:s26], $0x500  }
0x7b: {  	[sflag:s26] =	ssyncset.done $0x0  }
0x7c: {  	s19 =	sadd.s32 $0x2D0, s19;
	[sflag:s26] =	ssyncadd.s32 $0xFFFFFB00  }
0x7d: {  	[tilespmem:s24], [sflag:$0x1] =	stream.indirect.gather [spmem:s3], $0x10, s19, s16, $0xb8;
	[tilespmem:$0xB620] =	vst v63  }
0x7e: {  	_ =	swait.ge [sflag:s25], $0x500  }
0x7f: {  	[sflag:s25] =	ssyncset.done $0x0  }
0x80: {  	[sflag:s25] =	ssyncadd.s32 $0xFFFFFB00  }
0x81: {  	[spmem:s2] =	stream.indirect.scatter.add.f32 [tilespmem:s17], [sflag:$0x2], $0x10, s28, s16, $0xb8;
	[tilespmem:$0xB620] =	vst v63  }
0x82: {  	_ =	swait.ge [sflag:s26], $0x500  }
0x83: {  	[sflag:s26] =	ssyncset.done $0x0  }
0x84: {  	[sflag:s26] =	ssyncadd.s32 $0xFFFFFB00  }
0x85: {  	_ =	swait.ge [sflag:s25], $0x500  }
0x86: {  	[sflag:s25] =	ssyncset.done $0x0  }
0x87: {  	[sflag:s25] =	ssyncadd.s32 $0xFFFFFB00  }
0x88: {  	[spmem:s2] =	stream.indirect.scatter.add.f32 [tilespmem:s18], [sflag:$0x2], $0x10, s29, s16, $0xb8;
	[tilespmem:$0xB620] =	vst v63  }
0x89: {  	_ =	swait.ge [sflag:s26], $0x500  }
0x8a: {  	[sflag:s26] =	ssyncset.done $0x0  }
0x8b: {  	[sflag:s26] =	ssyncadd.s32 $0xFFFFFB00  }
0x8c: {  	_ =	swait.ge [sflag:s25], $0x500  }
0x8d: {  	[sflag:s25] =	ssyncset.done $0x0  }
0x8e: {  	[sflag:s25] =	ssyncadd.s32 $0xFFFFFB00  }
0x8f: {  	[spmem:s2] =	stream.indirect.scatter.add.f32 [tilespmem:s20], [sflag:$0x2], $0x10, s30, s16, $0xb8;
	[tilespmem:$0xB620] =	vst v63  }
0x90: {  	_ =	swait.ge [sflag:s26], $0x500  }
0x91: {  	[sflag:s26] =	ssyncset.done $0x0  }
0x92: {  	[sflag:s26] =	ssyncadd.s32 $0xFFFFFB00  }
0x93: {  	_ =	swait.ge [sflag:s25], $0x500  }
0x94: {  	[sflag:s25] =	ssyncset.done $0x0  }
0x95: {  	[sflag:s25] =	ssyncadd.s32 $0xFFFFFB00  }
0x96: {  	[spmem:s2] =	stream.indirect.scatter.add.f32 [tilespmem:s22], [sflag:$0x2], $0x10, s31, s16, $0xb8;
	[tilespmem:$0xB620] =	vst v63  }
0x97: {  	_ =	swait.ge [sflag:s26], $0x500  }
0x98: {  	[sflag:s26] =	ssyncset.done $0x0  }
0x99: {  	[sflag:s26] =	ssyncadd.s32 $0xFFFFFB00  }
0x9a: {  	_ =	swait.ge [sflag:s25], $0x500  }
0x9b: {  	[sflag:s25] =	ssyncset.done $0x0  }
0x9c: {  	[sflag:s25] =	ssyncadd.s32 $0xFFFFFB00  }
0x9d: {  	[spmem:s2] =	stream.indirect.scatter.add.f32 [tilespmem:s24], [sflag:$0x2], $0x10, s1, s16, $0xb8;
	[tilespmem:$0xB620] =	vst v63  }
0x9e: {  	_ =	swait.ge [sflag:s26], $0x500  }
0x9f: {  	s0 =	sadd.s32 $0x1, s0;
	[sflag:s26] =	ssyncset.done $0x0  }
0xa0: {  	p0 =	sne.s32 s0, s11;
	[sflag:s26] =	ssyncadd.s32 $0xFFFFFB00  }
.Ltmp1:
0xa1: {  	[bflag:$0x0] =	sbarrier.arrive $0xFFFF;
	(pc) =	sbr.rel @p0 .LBB2_1-.Ltmp1, $4  }
0xa2: {  	[hbm:s10], [sflag:s6] =	dma.local [spmem:s12], $0x4F0  }
0xa3: {  	_ =	swait.ge [sflag:s13], $0x4F0  }
0xa4: {  	[sflag:s13] =	ssyncset.done $0x0  }
0xa5: {  	[sflag:s13] =	ssyncadd.s32 $0xFFFFFB10  }
0xa6: {  	_ =	sfence.sel $0x180000  }
0xa7: {  	[bflag:$0x0] =	sbarrier.arrive $0xFFFF  }
0xa8: {  	_ =	strace $0x9000004A  }
0xa9: {  	s0 =	stileid.u32;
	[bflag:$0x2] =	sbarrier.arrive $0xFFFF  }
0xaa: {  	p0 =	sne.s32 s0, $0x0;
	s0 =	rddreg [dreg:$0x4]  }
0xab: {  	s0 =	sadd.s32 @!p0 $0x100000, s0  }
0xac: {  	[sflag:s0] =	ssyncadd.tile.s32 @!p0 $0x1;
	_ =	shalt  }
.Lfunc_end2:
_tile_overlayer_lowered:
.L_overlay_start_2:
0xad: {  	(tag) =	ssettag $0x2  }
0xae: {  	s0 =	rddreg [dreg:$0x0];
	s2 =	stileid.u32  }
0xaf: {  	s1 =	rddreg [dreg:$0x1];
	p0 =	sne.s32 s2, $0x0  }
0xb0: {  	s3 =	rddreg [dreg:$0x2];
	[bflag:$0x3] =	sbarrier.arrive $0xFFFF;
	s2 =	simm.s32 @!p0 $0x1C03  }
0xb1: {  	[timem:s3], [sflag:s2] =	dma.local @!p0 [hbm:s0], s1  }
0xb2: {  	s0 =	simm.s32 @!p0 $0x3  }
0xb3: {  	_ =	swait.ge @!p0 [sflag:s0], s1  }
0xb4: {  	s1 =	ssub.s32 @!p0 $0x0, s1;
	[sflag:s0] =	ssyncset.done @!p0 $0x0  }
0xb5: {  	[sflag:s0] =	ssyncadd.s32 @!p0 s1  }
0xb6: {  	[bflag:$0x3] =	sbarrier.arrive $0xFFFF  }
0xb7: {  	_ =	shalt  }

// kernel: kernel.14.cloned.1.call-start
scs
__scs_entry_jumppad:
0x0: {  	(pc) =	sbr.rel $0x88, $3  }
0x1: {  	(tag) =	ssettag $0x0;
	lr =	simm.s32 $0x1  }
0x2: {  	[smem:$0x3F9B] =	sst lr;
	_ =	strace $0xD0000000  }
0x3: {  	_ = 	snop  }
0x4: {  	_ = 	snop  }
0x5: {  	_ = 	snop  }
0x6: {  	_ = 	snop  }
0x7: {  	_ = 	snop  }
__scs_overlays_trampoline_lowered:
0x8: {  	[smem:$0x3FAA] =	sst s0  }
0x9: {  	[smem:$0x3FAB] =	sst s1  }
0xa: {  	[smem:$0x3FAC] =	sst s2  }
0xb: {  	[smem:$0x3FAD] =	sst s3  }
0xc: {  	[smem:$0x3FAE] =	sst s4  }
0xd: {  	[smem:$0x3FAF] =	sst s5  }
0xe: {  	[smem:$0x3FB0] =	sst s6  }
0xf: {  	[smem:$0x3FB1] =	sst s7  }
0x10: {  	[smem:$0x3FB2] =	sst s8  }
0x11: {  	[smem:$0x3FB3] =	sst s9;
	s0 =	simm.s32 @!p0 $0x0  }
0x12: {  	s1 =	sld [smem:$0x3F99];
	s0 =	simm.s32 @p0 $0x1  }
0x13: {  	[smem:$0x3FB4] =	sst s0;
	s0 =	simm.s32 @!p1 $0x0  }
0x14: {  	s2 =	sld [smem:$0x3F98];
	s0 =	simm.s32 @p1 $0x1  }
0x15: {  	[smem:$0x3FB5] =	sst s0;
	s0 =	simm.s32 @!p2 $0x0  }
0x16: {  	s3 =	sld [smem:$0x3FDB];
	s0 =	simm.s32 @p2 $0x1  }
0x17: {  	s4 =	simm.s32 $0x1BF5;
	[smem:$0x3FB7] =	sst s0  }
0x18: {  	s0 =	sld [smem:$0x3F9A];
	_ =	swait.ge [sflag:s4], $0x0  }
0x19: {  	s7 =	sld [smem:$0x3F9B]  }
0x1a: {  	s8 =	sadd.s32 $0xFFFFE003, lr  }
0x1b: {  	s9 =	sadd.s32 $0xFFFFFEF7, lr;
	s5 =	simm.s32 $0xFFFFFFFF;
	p2 =	slt.u32 s8, $0xFFFFF086  }
0x1c: {  	p1 =	slt.u32 s9, $0xF7A;
	s5 =	simm.s32 @!p2 $0x0  }
0x1d: {  	s5 =	simm.s32 @p1 $0x1;
	p0 =	seq.s32 s7, s2  }
0x1e: {  	s7 =	smul.u32 @!p0 $0xF7A, s2;
	p2 =	seq.s32 @!p0 s5, $0x0  }
0x1f: {  	s9 =	smul.u32 $0xF7A, s1;
	s8 =	simm.s32 @!p0 $0x1BF5;
	p2 =	por !p2, p0  }
0x20: {  	[sflag:s8] =	ssyncset.s32 @!p0 $0xFFFFF086;
	s6 =	sadd.s32 @!p0 s3, s7;
	s7 =	simm.s32 @!p0 $0x108  }
0x21: {  	s3 =	sadd.s32 s3, s9;
	s6 =	sadd.s32 @!p0 $0x88, s6;
	s7 =	simm.s32 @p2 $0x1082  }
0x22: {  	[simem:s7], [sflag:s8] =	dma.local @!p0 [hbm:s6], $0xF7A  }
0x23: {  	s9 =	sor.u32 $0xD0000000, s2;
	s6 =	simm.s32 $0x108;
	_ =	swait.ge @!p0 [sflag:s8], $0x0  }
0x24: {  	s3 =	sadd.s32 $0x88, s3;
	s6 =	simm.s32 @!p1 $0x1082;
	[sflag:s4] =	ssyncset.s32 $0xFFFFF086  }
0x25: {  	[simem:s6], [sflag:s4] =	dma.local [hbm:s3], $0xF7A  }
0x26: {  	[smem:$0x3F9B] =	sst s1;
	(tag) =	ssettag s2;
	_ =	strace s9  }
0x27: {  	s1 =	sld [smem:$0x3FAB]  }
0x28: {  	s2 =	sld [smem:$0x3FAC]  }
0x29: {  	s4 =	sld [smem:$0x3FAE]  }
0x2a: {  	p0 =	seq.s32 s5, $0x0;
	s5 =	sld [smem:$0x3FAF]  }
0x2b: {  	s6 =	sld [smem:$0x3FB0]  }
0x2c: {  	s7 =	sld [smem:$0x3FB1]  }
0x2d: {  	s3 =	simm.s32 $0x108;
	s8 =	sld [smem:$0x3FB2]  }
0x2e: {  	s3 =	simm.s32 @!p0 $0x1082;
	s9 =	sld [smem:$0x3FB3]  }
0x2f: {  	lr =	sadd.s32 s0, s3;
	s0 =	sld [smem:$0x3FAA]  }
0x30: {  	s3 =	sld [smem:$0x3FAD]  }
0x31: {  	[smem:$0x3FB6] =	sst s10  }
0x32: {  	s10 =	sld [smem:$0x3FB4];
	_ =	sdelay $0x3  }
0x33: {  	p0 =	seq.s32 s10, $0x1;
	s10 =	sld [smem:$0x3FB6];
	_ =	sdelay $0x3  }
0x34: {  	[smem:$0x3FB6] =	sst s10  }
0x35: {  	s10 =	sld [smem:$0x3FB5];
	_ =	sdelay $0x3  }
0x36: {  	p1 =	seq.s32 s10, $0x1;
	s10 =	sld [smem:$0x3FB6];
	_ =	sdelay $0x3  }
0x37: {  	[smem:$0x3FB6] =	sst s10  }
0x38: {  	s10 =	sld [smem:$0x3FB7]  }
0x39: {  	_ = 	snop;
	(pc) =	sbr.ind lr, $3  }
0x3a: {  	_ = 	snop  }
0x3b: {  	_ = 	snop  }
0x3c: {  	p2 =	seq.s32 s10, $0x1;
	s10 =	sld [smem:$0x3FB6]  }
0x3d: {  	_ =	shalt  }
0x3e: {  	_ =	shalt  }
0x3f: {  	_ =	shalt  }
0x40: {  	_ =	shalt  }
0x41: {  	_ =	shalt  }
0x42: {  	_ =	shalt  }
0x43: {  	_ =	shalt  }
0x44: {  	_ =	shalt  }
0x45: {  	_ =	shalt  }
0x46: {  	_ =	shalt  }
0x47: {  	_ =	shalt  }
0x48: {  	_ =	shalt  }
0x49: {  	_ =	shalt  }
0x4a: {  	_ =	shalt  }
0x4b: {  	_ =	shalt  }
0x4c: {  	_ =	shalt  }
0x4d: {  	_ =	shalt  }
0x4e: {  	_ =	shalt  }
0x4f: {  	_ =	shalt  }
0x50: {  	_ =	shalt  }
0x51: {  	_ =	shalt  }
0x52: {  	_ =	shalt  }
0x53: {  	_ =	shalt  }
0x54: {  	_ =	shalt  }
0x55: {  	_ =	shalt  }
0x56: {  	_ =	shalt  }
0x57: {  	_ =	shalt  }
0x58: {  	_ =	shalt  }
0x59: {  	_ =	shalt  }
0x5a: {  	_ =	shalt  }
0x5b: {  	_ =	shalt  }
0x5c: {  	_ =	shalt  }
0x5d: {  	_ =	shalt  }
0x5e: {  	_ =	shalt  }
0x5f: {  	_ =	shalt  }
0x60: {  	_ =	shalt  }
0x61: {  	_ =	shalt  }
0x62: {  	_ =	shalt  }
0x63: {  	_ =	shalt  }
0x64: {  	_ =	shalt  }
0x65: {  	_ =	shalt  }
0x66: {  	_ =	shalt  }
0x67: {  	_ =	shalt  }
0x68: {  	_ =	shalt  }
0x69: {  	_ =	shalt  }
0x6a: {  	_ =	shalt  }
0x6b: {  	_ =	shalt  }
0x6c: {  	_ =	shalt  }
0x6d: {  	_ =	shalt  }
0x6e: {  	_ =	shalt  }
0x6f: {  	_ =	shalt  }
0x70: {  	_ =	shalt  }
0x71: {  	_ =	shalt  }
0x72: {  	_ =	shalt  }
0x73: {  	_ =	shalt  }
0x74: {  	_ =	shalt  }
0x75: {  	_ =	shalt  }
0x76: {  	_ =	shalt  }
0x77: {  	_ =	shalt  }
0x78: {  	_ =	shalt  }
0x79: {  	_ =	shalt  }
0x7a: {  	_ =	shalt  }
0x7b: {  	_ =	shalt  }
0x7c: {  	_ =	shalt  }
0x7d: {  	_ =	shalt  }
0x7e: {  	_ =	shalt  }
0x7f: {  	_ =	shalt  }
0x80: {  	_ =	shalt  }
0x81: {  	_ =	shalt  }
0x82: {  	_ =	shalt  }
0x83: {  	_ =	shalt  }
0x84: {  	_ =	shalt  }
0x85: {  	_ =	shalt  }
0x86: {  	_ =	shalt  }
0x87: {  	_ =	shalt  }
.Lfunc_end0:
.L_simem_size_0:
called_computation.2_lowered:
.L_overlay_start_0:
0x88: {  	s2 =	sld [smem:$0x3FD9]  }
0x89: {  	s3 =	sld [smem:$0x3FFE];
	_ =	sdelay $0x1  }
0x8a: {  	s1 =	srdreg.scid  }
0x8b: {  	s0 =	sand.u32 $0x1, s1  }
0x8c: {  	s17 =	sshll.u32 s0, $0xA;
	s2 =	sadd.s32 s3, s2  }
0x8d: {  	s2 =	sadd.s32 s2, s17  }
0x8e: {  	[smem:$0x3FC2] =	sst s2  }
0x8f: {  	_ = 	snop  }
0x90: {  	s2 =	sld [smem:$0x3FD0];
	(tm) =	ssettm $0x1  }
0x91: {  	s18 =	sld [smem:$0x3FFB];
	_ =	sdelay $0x3  }
0x92: {  	_ =	strace s18  }
0x93: {  	s3 =	sld [smem:$0x3FFC];
	_ =	sdelay $0x3  }
0x94: {  	_ =	strace s3  }
0x95: {  	s3 =	sld [smem:$0x3FFD];
	_ =	sdelay $0x3  }
0x96: {  	_ =	strace s3  }
0x97: {  	_ =	strace $0x8FFFFFFF  }
0x98: {  	s19 =	sld [smem:$0x3FDB];
	_ =	sdelay $0x1  }
0x99: {  	s4 =	simm.s32 $_scs_section_size  }
0x9a: {  	s5 =	simm.s32 $_size__tile_overlayer_lowered;
	s6 =	simm.s32 $_tile_overlayer_lowered  }
0x9b: {  	s22 =	simm.s32 $0x1BFF;
	s21 =	sshll.u32 s6, $0x1;
	s3 =	sadd.s32 s4, s19  }
0x9c: {  	s7 =	simm.s32 $0x0;
	s20 =	sshll.u32 s5, $0x1;
	s5 =	sadd.s32 s21, s3  }
0x9d: {  	[timem:s7], [sflag:s22] =	dma.local [hbm:s5], s20  }
0x9e: {  	_ =	swait.ge [sflag:s22], s20  }
0x9f: {  	s4 =	ssub.s32 $0x0, s20;
	[sflag:s22] =	ssyncset.done $0x0  }
0xa0: {  	[sflag:s22] =	ssyncadd.s32 s4;
	_ =	sdelay $0x1  }
0xa1: {  	s23 =	simm.s32 $0x1B8B  }
0xa2: {  	_ =	swait.ge [sflag:s23], $0x1  }
0xa3: {  	[sflag:s23] =	ssyncset.done $0x0  }
0xa4: {  	s25 =	simm.s32 $0x1B8E;
	s24 =	sld [smem:$0x3FFE];
	[sflag:s23] =	ssyncadd.s32 $0xFFFFFFFF  }
0xa5: {  	s26 =	simm.s32 $execute0_lowered;
	[smem:$0x3FD2] =	sst s25  }
0xa6: {  	s5 =	sshll.u32 s26, $0x1;
	_ =	strace $0x8000004C;
	[dreg:$0x1] =	wrdreg $0xFFFFFFFF  }
0xa7: {  	s28 =	simm.s32 $_size_execute0_lowered;
	s3 =	sadd.s32 s3, s5;
	[dreg:$0x0] =	wrdreg $0x0  }
0xa8: {  	s5 =	sshll.u32 s28, $0x1;
	[dreg:$0x2] =	wrdreg s3  }
0xa9: {  	[dreg:$0x3] =	wrdreg s5  }
0xaa: {  	[dreg:$0x4] =	wrdreg $0xC0  }
0xab: {  	_ =	task [dreg:s7], $0x5FFFF  }
0xac: {  	[dreg:$0x1] =	wrdreg $0xFFFFFFFF  }
0xad: {  	[dreg:$0x0] =	wrdreg $0x60  }
0xae: {  	[dreg:$0x2] =	wrdreg s24  }
0xaf: {  	[dreg:$0x3] =	wrdreg s2  }
0xb0: {  	[dreg:$0x4] =	wrdreg $0x67200  }
0xb1: {  	[dreg:$0x5] =	wrdreg $0x8EA00  }
0xb2: {  	[dreg:$0x6] =	wrdreg $0x9  }
0xb3: {  	_ =	task.clear_ibuf [dreg:s7], $0x7FFFF;
	_ =	strace $0x9000004C  }
0xb4: {  	s29 =	simm.s32 $0x9;
	_ =	strace $0x8000004E  }
0xb5: {  	_ =	swait.ge [sflag:s29], $0x1  }
0xb6: {  	[sflag:s29] =	ssyncadd.s32 $0xFFFFFFFF  }
0xb7: {  	_ =	strace $0x9000004E  }
0xb8: {  	_ =	sfence  }
0xb9: {  	s30 =	sld [smem:$0x0];
	_ =	sdelay $0x2  }
0xba: {  	s31 =	sshll.u32 s1, $0xD;
	s1 =	sshrl.u32 s1, $0x2  }
0xbb: {  	s3 =	sand.u32 $0x4000, s31;
	s1 =	sadd.s32 s1, s30  }
0xbc: {  	s0 =	sor.u32 s3, s0;
	s1 =	sshll.u32 s1, $0x11  }
0xbd: {  	s0 =	sor.u32 s1, s0  }
0xbe: {  	s0 =	sadd.s32 $0x8F2B, s0  }
0xbf: {  	[sflag:s0] =	ssyncadd.remote.s32 $0x1  }
0xc0: {  	_ =	sfence.sel $0xFFFF  }
0xc1: {  	[dreg:$0x0] =	wrdreg $0xFFFFFFFF;
	(pc) =	sbr.abs _section_cstart, $3  }
0xc2: {  	[dreg:$0x1] =	wrdreg $0xFFFFFFFF  }
0xc3: {  	_ =	task.clear_ibuf [dreg:s7], $0x2FFFF;
	_ =	strace $0x9FFFFFFF  }
0xc4: {  	(tm) =	ssettm $0x7FFFFFFF  }
0xc5: {  	_ =	shalt  }
tec
execute0_lowered:
.L_overlay_start_1:
0x0: {  	(tag) =	ssettag $0x1  }
0x1: {  	s0 =	rddreg [dreg:$0x0];
	s1 =	srdreg.scid  }
0x2: {  	s12 =	stileid.u32;
	s5 =	rddreg [dreg:$0x1]  }
0x3: {  	s2 =	rddreg [dreg:$0x2];
	s13 =	simm.s32 $0x3;
	s16 =	simm.s32 $0x50  }
0x4: {  	s17 =	simm.s32 $0x4E20;
	s18 =	simm.s32 $0x5320;
	s20 =	simm.s32 $0x5820  }
0x5: {  	s22 =	simm.s32 $0x5D20;
	s23 =	simm.s32 $0x140;
	s28 =	simm.s32 $0x4C90  }
0x6: {  	s29 =	simm.s32 $0x4CE0;
	s30 =	simm.s32 $0x4D30;
	s31 =	simm.s32 $0x4D80  }
0x7: {  	s1 =	sand.u32 $0x1, s1;
	s3 =	sshll.u32 s12, $0x1;
	s7 =	smul.u32 $0x2780, s12  }
0x8: {  	s25 =	sshll.u32 s12, $0x6;
	s4 =	sor.u32 s1, s3;
	s8 =	smul.u32 $0x27800, s1  }
0x9: {  	s3 =	rddreg [dreg:$0x3];
	s1 =	ssub.s32 $0x2, s1;
	s6 =	smul.u32 $0x4E2, s4  }
0xa: {  	s4 =	simm.s32 $0x0;
	s24 =	sshrl.u32 s7, $0x3;
	s11 =	sshrl.u32 s1, $0x1  }
0xb: {  	s26 =	sadd.s32 s7, s2;
	s14 =	sadd.s32 s7, s3;
	[smem:$0x7FF] =	sst s4  }
0xc: {  	s8 =	sadd.s32 s7, s8;
	s10 =	sadd.s32 s24, s0;
	s1 =	ssub.s32 s1, s11  }
0xd: {  	s5 =	sadd.s32 s5, s24;
	s12 =	sshrl.u32 s26, $0x3;
	s14 =	sshrl.u32 s14, $0x3  }
0xe: {  	s24 =	simm.s32 $0x6220;
	s26 =	simm.s32 $0x2;
	_ =	strace $0x8000004D  }
0xf: {  	s9 =	sadd.s32 s6, s0;
	s8 =	sshrl.u32 s8, $0x3;
	s6 =	sor.u32 $0x1C03, s25  }
0x10: {  	s7 =	sadd.s32 $0x15200, s10;
	s11 =	smax.u32 s1, $0x1;
	s25 =	simm.s32 $0x1  }
0x11: {  	s1 =	simm.s32 $0x4DD0;
	s0 =	sadd.s32 s8, s0;
	s8 =	sadd.s32 $0xB400, s9  }
0x12: {  	s9 =	sadd.s32 $0x1600, s9;
	s10 =	sadd.s32 $0x1A200, s0;
	s0 =	simm.s32 $0x0  }
.LBB2_1:
0x13: {  	[spmem:s12], [sflag:s6] =	dma.local [hbm:s5], $0x4F0  }
0x14: {  	_ =	swait.ge [sflag:s13], $0x4F0  }
0x15: {  	[sflag:s13] =	ssyncset.done $0x0  }
0x16: {  	[sflag:s13] =	ssyncadd.s32 $0xFFFFFB10  }
0x17: {  	[spmem:s14], [sflag:s6] =	dma.local [hbm:s7], $0x4F0  }
0x18: {  	_ =	swait.ge [sflag:s13], $0x4F0  }
0x19: {  	[sflag:s13] =	ssyncset.done $0x0  }
0x1a: {  	[sflag:s13] =	ssyncadd.s32 $0xFFFFFB10  }
0x1b: {  	[bflag:$0x0] =	sbarrier.arrive $0xFFFF  }
0x1c: {  	[tilespmem:s4], [sflag:$0x3] =	stream.linear.gather [hbm4b:s8+s4], $0x2710, $0x38;
	[tilespmem:$0xB620] =	vst v63  }
0x1d: {  	_ =	swait.ge [sflag:s13], $0x2710  }
0x1e: {  	[sflag:s13] =	ssyncset.done $0x0  }
0x1f: {  	s15 =	simm.s32 $0x2710;
	[sflag:s13] =	ssyncadd.s32 $0xFFFFD8F0  }
0x20: {  	[tilespmem:s15], [sflag:$0x3] =	stream.linear.gather [hbm4b:s9+s4], $0x2710, $0x38;
	[tilespmem:$0xB620] =	vst v63  }
0x21: {  	_ =	swait.ge [sflag:s13], $0x2710  }
0x22: {  	[sflag:s13] =	ssyncset.done $0x0  }
0x23: {  	[sflag:s13] =	ssyncadd.s32 $0xFFFFD8F0  }
0x24: {  	[tilespmem:s17], [sflag:$0x1] =	stream.indirect.gather [spmem:s3], $0x10, s4, s16, $0xb8;
	[tilespmem:$0xB620] =	vst v63  }
0x25: {  	_ = 	snop  }
0x26: {  	[tilespmem:s18], [sflag:$0x1] =	stream.indirect.gather [spmem:s3], $0x10, s16, s16, $0xb8;
	[tilespmem:$0xB620] =	vst v63  }
0x27: {  	s21 =	simm.s32 $0xA0  }
0x28: {  	[tilespmem:s20], [sflag:$0x1] =	stream.indirect.gather [spmem:s3], $0x10, s21, s16, $0xb8;
	[tilespmem:$0xB620] =	vst v63  }
0x29: {  	s19 =	simm.s32 $0xF0  }
0x2a: {  	[tilespmem:s22], [sflag:$0x1] =	stream.indirect.gather [spmem:s3], $0x10, s19, s16, $0xb8;
	[tilespmem:$0xB620] =	vst v63  }
0x2b: {  	_ = 	snop  }
0x2c: {  	[tilespmem:s24], [sflag:$0x1] =	stream.indirect.gather [spmem:s3], $0x10, s23, s16, $0xb8;
	[tilespmem:$0xB620] =	vst v63  }
0x2d: {  	_ =	swait.ge [sflag:s25], $0x500  }
0x2e: {  	[sflag:s25] =	ssyncset.done $0x0  }
0x2f: {  	s21 =	simm.s32 $0x2710;
	[sflag:s25] =	ssyncadd.s32 $0xFFFFFB00  }
0x30: {  	[spmem:s2] =	stream.indirect.scatter.add.f32 [tilespmem:s17], [sflag:$0x2], $0x10, s21, s16, $0xb8;
	[tilespmem:$0xB620] =	vst v63  }
0x31: {  	_ =	swait.ge [sflag:s26], $0x500  }
0x32: {  	[sflag:s26] =	ssyncset.done $0x0  }
0x33: {  	s19 =	simm.s32 $0x190;
	[sflag:s26] =	ssyncadd.s32 $0xFFFFFB00  }
0x34: {  	[tilespmem:s17], [sflag:$0x1] =	stream.indirect.gather [spmem:s3], $0x10, s19, s16, $0xb8;
	[tilespmem:$0xB620] =	vst v63  }
0x35: {  	_ =	swait.ge [sflag:s25], $0x500  }
0x36: {  	[sflag:s25] =	ssyncset.done $0x0  }
0x37: {  	s21 =	simm.s32 $0x2760;
	[sflag:s25] =	ssyncadd.s32 $0xFFFFFB00  }
0x38: {  	[spmem:s2] =	stream.indirect.scatter.add.f32 [tilespmem:s18], [sflag:$0x2], $0x10, s21, s16, $0xb8;
	[tilespmem:$0xB620] =	vst v63  }
0x39: {  	_ =	swait.ge [sflag:s26], $0x500  }
0x3a: {  	[sflag:s26] =	ssyncset.done $0x0  }
0x3b: {  	s19 =	simm.s32 $0x1E0;
	[sflag:s26] =	ssyncadd.s32 $0xFFFFFB00  }
0x3c: {  	[tilespmem:s18], [sflag:$0x1] =	stream.indirect.gather [spmem:s3], $0x10, s19, s16, $0xb8;
	[tilespmem:$0xB620] =	vst v63  }
0x3d: {  	_ =	swait.ge [sflag:s25], $0x500  }
0x3e: {  	[sflag:s25] =	ssyncset.done $0x0  }
0x3f: {  	s21 =	simm.s32 $0x27B0;
	[sflag:s25] =	ssyncadd.s32 $0xFFFFFB00  }
0x40: {  	[spmem:s2] =	stream.indirect.scatter.add.f32 [tilespmem:s20], [sflag:$0x2], $0x10, s21, s16, $0xb8;
	[tilespmem:$0xB620] =	vst v63  }
0x41: {  	_ =	swait.ge [sflag:s26], $0x500  }
0x42: {  	[sflag:s26] =	ssyncset.done $0x0  }
0x43: {  	s19 =	simm.s32 $0x230;
	[sflag:s26] =	ssyncadd.s32 $0xFFFFFB00  }
0x44: {  	[tilespmem:s20], [sflag:$0x1] =	stream.indirect.gather [spmem:s3], $0x10, s19, s16, $0xb8;
	[tilespmem:$0xB620] =	vst v63  }
0x45: {  	_ =	swait.ge [sflag:s25], $0x500  }
0x46: {  	[sflag:s25] =	ssyncset.done $0x0  }
0x47: {  	s21 =	simm.s32 $0x2800;
	[sflag:s25] =	ssyncadd.s32 $0xFFFFFB00  }
0x48: {  	[spmem:s2] =	stream.indirect.scatter.add.f32 [tilespmem:s22], [sflag:$0x2], $0x10, s21, s16, $0xb8;
	[tilespmem:$0xB620] =	vst v63  }
0x49: {  	_ =	swait.ge [sflag:s26], $0x500  }
0x4a: {  	[sflag:s26] =	ssyncset.done $0x0  }
0x4b: {  	s19 =	simm.s32 $0x280;
	[sflag:s26] =	ssyncadd.s32 $0xFFFFFB00  }
0x4c: {  	[tilespmem:s22], [sflag:$0x1] =	stream.indirect.gather [spmem:s3], $0x10, s19, s16, $0xb8;
	[tilespmem:$0xB620] =	vst v63  }
0x4d: {  	_ =	swait.ge [sflag:s25], $0x500  }
0x4e: {  	[sflag:s25] =	ssyncset.done $0x0  }
0x4f: {  	s21 =	simm.s32 $0x2850;
	[sflag:s25] =	ssyncadd.s32 $0xFFFFFB00  }
0x50: {  	[spmem:s2] =	stream.indirect.scatter.add.f32 [tilespmem:s24], [sflag:$0x2], $0x10, s21, s16, $0xb8;
	[tilespmem:$0xB620] =	vst v63  }
0x51: {  	_ =	swait.ge [sflag:s26], $0x500  }
0x52: {  	[sflag:s26] =	ssyncset.done $0x0  }
0x53: {  	s15 =	simm.s32 $0x640;
	s19 =	simm.s32 $0x2D0;
	[sflag:s26] =	ssyncadd.s32 $0xFFFFFB00  }
.LBB2_2:
0x54: {  	[tilespmem:s24], [sflag:$0x1] =	stream.indirect.gather [spmem:s3], $0x10, s19, s16, $0xb8;
	[tilespmem:$0xB620] =	vst v63  }
0x55: {  	s19 =	smov.u32 s15  }
0x56: {  	p0 =	sne.s32 s15, $0x8FC0;
	s15 =	sadd.s32 $0x640, s15;
	_ =	swait.ge [sflag:s25], $0x500  }
0x57: {  	s19 =	sshra.s32 s19, $0x2;
	[sflag:s25] =	ssyncset.done $0x0  }
0x58: {  	s21 =	sadd.s32 $0x2710, s19;
	[sflag:s25] =	ssyncadd.s32 $0xFFFFFB00  }
0x59: {  	[spmem:s2] =	stream.indirect.scatter.add.f32 [tilespmem:s17], [sflag:$0x2], $0x10, s21, s16, $0xb8;
	[tilespmem:$0xB620] =	vst v63  }
0x5a: {  	_ =	swait.ge [sflag:s26], $0x500  }
0x5b: {  	[sflag:s26] =	ssyncset.done $0x0  }
0x5c: {  	s21 =	sadd.s32 $0x190, s19;
	[sflag:s26] =	ssyncadd.s32 $0xFFFFFB00  }
0x5d: {  	[tilespmem:s17], [sflag:$0x1] =	stream.indirect.gather [spmem:s3], $0x10, s21, s16, $0xb8;
	[tilespmem:$0xB620] =	vst v63  }
0x5e: {  	_ =	swait.ge [sflag:s25], $0x500  }
0x5f: {  	[sflag:s25] =	ssyncset.done $0x0  }
0x60: {  	s21 =	sadd.s32 $0x2760, s19;
	[sflag:s25] =	ssyncadd.s32 $0xFFFFFB00  }
0x61: {  	[spmem:s2] =	stream.indirect.scatter.add.f32 [tilespmem:s18], [sflag:$0x2], $0x10, s21, s16, $0xb8;
	[tilespmem:$0xB620] =	vst v63  }
0x62: {  	_ =	swait.ge [sflag:s26], $0x500  }
0x63: {  	[sflag:s26] =	ssyncset.done $0x0  }
0x64: {  	s21 =	sadd.s32 $0x1E0, s19;
	[sflag:s26] =	ssyncadd.s32 $0xFFFFFB00  }
0x65: {  	[tilespmem:s18], [sflag:$0x1] =	stream.indirect.gather [spmem:s3], $0x10, s21, s16, $0xb8;
	[tilespmem:$0xB620] =	vst v63  }
0x66: {  	_ =	swait.ge [sflag:s25], $0x500  }
0x67: {  	[sflag:s25] =	ssyncset.done $0x0  }
0x68: {  	s21 =	sadd.s32 $0x27B0, s19;
	[sflag:s25] =	ssyncadd.s32 $0xFFFFFB00  }
0x69: {  	[spmem:s2] =	stream.indirect.scatter.add.f32 [tilespmem:s20], [sflag:$0x2], $0x10, s21, s16, $0xb8;
	[tilespmem:$0xB620] =	vst v63  }
0x6a: {  	_ =	swait.ge [sflag:s26], $0x500  }
0x6b: {  	[sflag:s26] =	ssyncset.done $0x0  }
0x6c: {  	s21 =	sadd.s32 $0x230, s19;
	[sflag:s26] =	ssyncadd.s32 $0xFFFFFB00  }
0x6d: {  	[tilespmem:s20], [sflag:$0x1] =	stream.indirect.gather [spmem:s3], $0x10, s21, s16, $0xb8;
	[tilespmem:$0xB620] =	vst v63  }
0x6e: {  	_ =	swait.ge [sflag:s25], $0x500  }
0x6f: {  	[sflag:s25] =	ssyncset.done $0x0  }
0x70: {  	s21 =	sadd.s32 $0x2800, s19;
	[sflag:s25] =	ssyncadd.s32 $0xFFFFFB00  }
0x71: {  	[spmem:s2] =	stream.indirect.scatter.add.f32 [tilespmem:s22], [sflag:$0x2], $0x10, s21, s16, $0xb8;
	[tilespmem:$0xB620] =	vst v63  }
0x72: {  	_ =	swait.ge [sflag:s26], $0x500  }
0x73: {  	[sflag:s26] =	ssyncset.done $0x0  }
0x74: {  	s21 =	sadd.s32 $0x280, s19;
	[sflag:s26] =	ssyncadd.s32 $0xFFFFFB00  }
0x75: {  	[tilespmem:s22], [sflag:$0x1] =	stream.indirect.gather [spmem:s3], $0x10, s21, s16, $0xb8;
	[tilespmem:$0xB620] =	vst v63  }
0x76: {  	_ =	swait.ge [sflag:s25], $0x500  }
0x77: {  	[sflag:s25] =	ssyncset.done $0x0  }
.Ltmp0:
0x78: {  	s21 =	sadd.s32 $0x2850, s19;
	[sflag:s25] =	ssyncadd.s32 $0xFFFFFB00;
	(pc) =	sbr.rel @p0 .LBB2_2-.Ltmp0, $4  }
0x79: {  	[spmem:s2] =	stream.indirect.scatter.add.f32 [tilespmem:s24], [sflag:$0x2], $0x10, s21, s16, $0xb8;
	[tilespmem:$0xB620] =	vst v63  }
0x7a: {  	_ =	swait.ge [sflag:s26], $0x500  }
0x7b: {  	[sflag:s26] =	ssyncset.done $0x0  }
0x7c: {  	s19 =	sadd.s32 $0x2D0, s19;
	[sflag:s26] =	ssyncadd.s32 $0xFFFFFB00  }
0x7d: {  	[tilespmem:s24], [sflag:$0x1] =	stream.indirect.gather [spmem:s3], $0x10, s19, s16, $0xb8;
	[tilespmem:$0xB620] =	vst v63  }
0x7e: {  	_ =	swait.ge [sflag:s25], $0x500  }
0x7f: {  	[sflag:s25] =	ssyncset.done $0x0  }
0x80: {  	[sflag:s25] =	ssyncadd.s32 $0xFFFFFB00  }
0x81: {  	[spmem:s2] =	stream.indirect.scatter.add.f32 [tilespmem:s17], [sflag:$0x2], $0x10, s28, s16, $0xb8;
	[tilespmem:$0xB620] =	vst v63  }
0x82: {  	_ =	swait.ge [sflag:s26], $0x500  }
0x83: {  	[sflag:s26] =	ssyncset.done $0x0  }
0x84: {  	[sflag:s26] =	ssyncadd.s32 $0xFFFFFB00  }
0x85: {  	_ =	swait.ge [sflag:s25], $0x500  }
0x86: {  	[sflag:s25] =	ssyncset.done $0x0  }
0x87: {  	[sflag:s25] =	ssyncadd.s32 $0xFFFFFB00  }
0x88: {  	[spmem:s2] =	stream.indirect.scatter.add.f32 [tilespmem:s18], [sflag:$0x2], $0x10, s29, s16, $0xb8;
	[tilespmem:$0xB620] =	vst v63  }
0x89: {  	_ =	swait.ge [sflag:s26], $0x500  }
0x8a: {  	[sflag:s26] =	ssyncset.done $0x0  }
0x8b: {  	[sflag:s26] =	ssyncadd.s32 $0xFFFFFB00  }
0x8c: {  	_ =	swait.ge [sflag:s25], $0x500  }
0x8d: {  	[sflag:s25] =	ssyncset.done $0x0  }
0x8e: {  	[sflag:s25] =	ssyncadd.s32 $0xFFFFFB00  }
0x8f: {  	[spmem:s2] =	stream.indirect.scatter.add.f32 [tilespmem:s20], [sflag:$0x2], $0x10, s30, s16, $0xb8;
	[tilespmem:$0xB620] =	vst v63  }
0x90: {  	_ =	swait.ge [sflag:s26], $0x500  }
0x91: {  	[sflag:s26] =	ssyncset.done $0x0  }
0x92: {  	[sflag:s26] =	ssyncadd.s32 $0xFFFFFB00  }
0x93: {  	_ =	swait.ge [sflag:s25], $0x500  }
0x94: {  	[sflag:s25] =	ssyncset.done $0x0  }
0x95: {  	[sflag:s25] =	ssyncadd.s32 $0xFFFFFB00  }
0x96: {  	[spmem:s2] =	stream.indirect.scatter.add.f32 [tilespmem:s22], [sflag:$0x2], $0x10, s31, s16, $0xb8;
	[tilespmem:$0xB620] =	vst v63  }
0x97: {  	_ =	swait.ge [sflag:s26], $0x500  }
0x98: {  	[sflag:s26] =	ssyncset.done $0x0  }
0x99: {  	[sflag:s26] =	ssyncadd.s32 $0xFFFFFB00  }
0x9a: {  	_ =	swait.ge [sflag:s25], $0x500  }
0x9b: {  	[sflag:s25] =	ssyncset.done $0x0  }
0x9c: {  	[sflag:s25] =	ssyncadd.s32 $0xFFFFFB00  }
0x9d: {  	[spmem:s2] =	stream.indirect.scatter.add.f32 [tilespmem:s24], [sflag:$0x2], $0x10, s1, s16, $0xb8;
	[tilespmem:$0xB620] =	vst v63  }
0x9e: {  	_ =	swait.ge [sflag:s26], $0x500  }
0x9f: {  	s0 =	sadd.s32 $0x1, s0;
	[sflag:s26] =	ssyncset.done $0x0  }
0xa0: {  	p0 =	sne.s32 s0, s11;
	[sflag:s26] =	ssyncadd.s32 $0xFFFFFB00  }
.Ltmp1:
0xa1: {  	[bflag:$0x0] =	sbarrier.arrive $0xFFFF;
	(pc) =	sbr.rel @p0 .LBB2_1-.Ltmp1, $4  }
0xa2: {  	[hbm:s10], [sflag:s6] =	dma.local [spmem:s12], $0x4F0  }
0xa3: {  	_ =	swait.ge [sflag:s13], $0x4F0  }
0xa4: {  	[sflag:s13] =	ssyncset.done $0x0  }
0xa5: {  	[sflag:s13] =	ssyncadd.s32 $0xFFFFFB10  }
0xa6: {  	_ =	sfence.sel $0x180000  }
0xa7: {  	[bflag:$0x0] =	sbarrier.arrive $0xFFFF  }
0xa8: {  	_ =	strace $0x9000004D  }
0xa9: {  	s0 =	stileid.u32;
	[bflag:$0x2] =	sbarrier.arrive $0xFFFF  }
0xaa: {  	p0 =	sne.s32 s0, $0x0;
	s0 =	rddreg [dreg:$0x4]  }
0xab: {  	s0 =	sadd.s32 @!p0 $0x100000, s0  }
0xac: {  	[sflag:s0] =	ssyncadd.tile.s32 @!p0 $0x1;
	_ =	shalt  }
.Lfunc_end2:
_tile_overlayer_lowered:
.L_overlay_start_2:
0xad: {  	(tag) =	ssettag $0x2  }
0xae: {  	s0 =	rddreg [dreg:$0x0];
	s2 =	stileid.u32  }
0xaf: {  	s1 =	rddreg [dreg:$0x1];
	p0 =	sne.s32 s2, $0x0  }
0xb0: {  	s3 =	rddreg [dreg:$0x2];
	[bflag:$0x3] =	sbarrier.arrive $0xFFFF;
	s2 =	simm.s32 @!p0 $0x1C03  }
0xb1: {  	[timem:s3], [sflag:s2] =	dma.local @!p0 [hbm:s0], s1  }
0xb2: {  	s0 =	simm.s32 @!p0 $0x3  }
0xb3: {  	_ =	swait.ge @!p0 [sflag:s0], s1  }
0xb4: {  	s1 =	ssub.s32 @!p0 $0x0, s1;
	[sflag:s0] =	ssyncset.done @!p0 $0x0  }
0xb5: {  	[sflag:s0] =	ssyncadd.s32 @!p0 s1  }
0xb6: {  	[bflag:$0x3] =	sbarrier.arrive $0xFFFF  }
0xb7: {  	_ =	shalt  }

// kernel: kernel.8.cloned.1.call-start
scs
__scs_entry_jumppad:
0x0: {  	(pc) =	sbr.rel $0x88, $3  }
0x1: {  	(tag) =	ssettag $0x0;
	lr =	simm.s32 $0x1  }
0x2: {  	[smem:$0x3F9B] =	sst lr;
	_ =	strace $0xD0000000  }
0x3: {  	_ = 	snop  }
0x4: {  	_ = 	snop  }
0x5: {  	_ = 	snop  }
0x6: {  	_ = 	snop  }
0x7: {  	_ = 	snop  }
__scs_overlays_trampoline_lowered:
0x8: {  	[smem:$0x3FAA] =	sst s0  }
0x9: {  	[smem:$0x3FAB] =	sst s1  }
0xa: {  	[smem:$0x3FAC] =	sst s2  }
0xb: {  	[smem:$0x3FAD] =	sst s3  }
0xc: {  	[smem:$0x3FAE] =	sst s4  }
0xd: {  	[smem:$0x3FAF] =	sst s5  }
0xe: {  	[smem:$0x3FB0] =	sst s6  }
0xf: {  	[smem:$0x3FB1] =	sst s7  }
0x10: {  	[smem:$0x3FB2] =	sst s8  }
0x11: {  	[smem:$0x3FB3] =	sst s9;
	s0 =	simm.s32 @!p0 $0x0  }
0x12: {  	s1 =	sld [smem:$0x3F99];
	s0 =	simm.s32 @p0 $0x1  }
0x13: {  	[smem:$0x3FB4] =	sst s0;
	s0 =	simm.s32 @!p1 $0x0  }
0x14: {  	s2 =	sld [smem:$0x3F98];
	s0 =	simm.s32 @p1 $0x1  }
0x15: {  	[smem:$0x3FB5] =	sst s0;
	s0 =	simm.s32 @!p2 $0x0  }
0x16: {  	s3 =	sld [smem:$0x3FDB];
	s0 =	simm.s32 @p2 $0x1  }
0x17: {  	s4 =	simm.s32 $0x1BF5;
	[smem:$0x3FB7] =	sst s0  }
0x18: {  	s0 =	sld [smem:$0x3F9A];
	_ =	swait.ge [sflag:s4], $0x0  }
0x19: {  	s7 =	sld [smem:$0x3F9B]  }
0x1a: {  	s8 =	sadd.s32 $0xFFFFE003, lr  }
0x1b: {  	s9 =	sadd.s32 $0xFFFFFEF7, lr;
	s5 =	simm.s32 $0xFFFFFFFF;
	p2 =	slt.u32 s8, $0xFFFFF086  }
0x1c: {  	p1 =	slt.u32 s9, $0xF7A;
	s5 =	simm.s32 @!p2 $0x0  }
0x1d: {  	s5 =	simm.s32 @p1 $0x1;
	p0 =	seq.s32 s7, s2  }
0x1e: {  	s7 =	smul.u32 @!p0 $0xF7A, s2;
	p2 =	seq.s32 @!p0 s5, $0x0  }
0x1f: {  	s9 =	smul.u32 $0xF7A, s1;
	s8 =	simm.s32 @!p0 $0x1BF5;
	p2 =	por !p2, p0  }
0x20: {  	[sflag:s8] =	ssyncset.s32 @!p0 $0xFFFFF086;
	s6 =	sadd.s32 @!p0 s3, s7;
	s7 =	simm.s32 @!p0 $0x108  }
0x21: {  	s3 =	sadd.s32 s3, s9;
	s6 =	sadd.s32 @!p0 $0x88, s6;
	s7 =	simm.s32 @p2 $0x1082  }
0x22: {  	[simem:s7], [sflag:s8] =	dma.local @!p0 [hbm:s6], $0xF7A  }
0x23: {  	s9 =	sor.u32 $0xD0000000, s2;
	s6 =	simm.s32 $0x108;
	_ =	swait.ge @!p0 [sflag:s8], $0x0  }
0x24: {  	s3 =	sadd.s32 $0x88, s3;
	s6 =	simm.s32 @!p1 $0x1082;
	[sflag:s4] =	ssyncset.s32 $0xFFFFF086  }
0x25: {  	[simem:s6], [sflag:s4] =	dma.local [hbm:s3], $0xF7A  }
0x26: {  	[smem:$0x3F9B] =	sst s1;
	(tag) =	ssettag s2;
	_ =	strace s9  }
0x27: {  	s1 =	sld [smem:$0x3FAB]  }
0x28: {  	s2 =	sld [smem:$0x3FAC]  }
0x29: {  	s4 =	sld [smem:$0x3FAE]  }
0x2a: {  	p0 =	seq.s32 s5, $0x0;
	s5 =	sld [smem:$0x3FAF]  }
0x2b: {  	s6 =	sld [smem:$0x3FB0]  }
0x2c: {  	s7 =	sld [smem:$0x3FB1]  }
0x2d: {  	s3 =	simm.s32 $0x108;
	s8 =	sld [smem:$0x3FB2]  }
0x2e: {  	s3 =	simm.s32 @!p0 $0x1082;
	s9 =	sld [smem:$0x3FB3]  }
0x2f: {  	lr =	sadd.s32 s0, s3;
	s0 =	sld [smem:$0x3FAA]  }
0x30: {  	s3 =	sld [smem:$0x3FAD]  }
0x31: {  	[smem:$0x3FB6] =	sst s10  }
0x32: {  	s10 =	sld [smem:$0x3FB4];
	_ =	sdelay $0x3  }
0x33: {  	p0 =	seq.s32 s10, $0x1;
	s10 =	sld [smem:$0x3FB6];
	_ =	sdelay $0x3  }
0x34: {  	[smem:$0x3FB6] =	sst s10  }
0x35: {  	s10 =	sld [smem:$0x3FB5];
	_ =	sdelay $0x3  }
0x36: {  	p1 =	seq.s32 s10, $0x1;
	s10 =	sld [smem:$0x3FB6];
	_ =	sdelay $0x3  }
0x37: {  	[smem:$0x3FB6] =	sst s10  }
0x38: {  	s10 =	sld [smem:$0x3FB7]  }
0x39: {  	_ = 	snop;
	(pc) =	sbr.ind lr, $3  }
0x3a: {  	_ = 	snop  }
0x3b: {  	_ = 	snop  }
0x3c: {  	p2 =	seq.s32 s10, $0x1;
	s10 =	sld [smem:$0x3FB6]  }
0x3d: {  	_ =	shalt  }
0x3e: {  	_ =	shalt  }
0x3f: {  	_ =	shalt  }
0x40: {  	_ =	shalt  }
0x41: {  	_ =	shalt  }
0x42: {  	_ =	shalt  }
0x43: {  	_ =	shalt  }
0x44: {  	_ =	shalt  }
0x45: {  	_ =	shalt  }
0x46: {  	_ =	shalt  }
0x47: {  	_ =	shalt  }
0x48: {  	_ =	shalt  }
0x49: {  	_ =	shalt  }
0x4a: {  	_ =	shalt  }
0x4b: {  	_ =	shalt  }
0x4c: {  	_ =	shalt  }
0x4d: {  	_ =	shalt  }
0x4e: {  	_ =	shalt  }
0x4f: {  	_ =	shalt  }
0x50: {  	_ =	shalt  }
0x51: {  	_ =	shalt  }
0x52: {  	_ =	shalt  }
0x53: {  	_ =	shalt  }
0x54: {  	_ =	shalt  }
0x55: {  	_ =	shalt  }
0x56: {  	_ =	shalt  }
0x57: {  	_ =	shalt  }
0x58: {  	_ =	shalt  }
0x59: {  	_ =	shalt  }
0x5a: {  	_ =	shalt  }
0x5b: {  	_ =	shalt  }
0x5c: {  	_ =	shalt  }
0x5d: {  	_ =	shalt  }
0x5e: {  	_ =	shalt  }
0x5f: {  	_ =	shalt  }
0x60: {  	_ =	shalt  }
0x61: {  	_ =	shalt  }
0x62: {  	_ =	shalt  }
0x63: {  	_ =	shalt  }
0x64: {  	_ =	shalt  }
0x65: {  	_ =	shalt  }
0x66: {  	_ =	shalt  }
0x67: {  	_ =	shalt  }
0x68: {  	_ =	shalt  }
0x69: {  	_ =	shalt  }
0x6a: {  	_ =	shalt  }
0x6b: {  	_ =	shalt  }
0x6c: {  	_ =	shalt  }
0x6d: {  	_ =	shalt  }
0x6e: {  	_ =	shalt  }
0x6f: {  	_ =	shalt  }
0x70: {  	_ =	shalt  }
0x71: {  	_ =	shalt  }
0x72: {  	_ =	shalt  }
0x73: {  	_ =	shalt  }
0x74: {  	_ =	shalt  }
0x75: {  	_ =	shalt  }
0x76: {  	_ =	shalt  }
0x77: {  	_ =	shalt  }
0x78: {  	_ =	shalt  }
0x79: {  	_ =	shalt  }
0x7a: {  	_ =	shalt  }
0x7b: {  	_ =	shalt  }
0x7c: {  	_ =	shalt  }
0x7d: {  	_ =	shalt  }
0x7e: {  	_ =	shalt  }
0x7f: {  	_ =	shalt  }
0x80: {  	_ =	shalt  }
0x81: {  	_ =	shalt  }
0x82: {  	_ =	shalt  }
0x83: {  	_ =	shalt  }
0x84: {  	_ =	shalt  }
0x85: {  	_ =	shalt  }
0x86: {  	_ =	shalt  }
0x87: {  	_ =	shalt  }
.Lfunc_end0:
.L_simem_size_0:
called_computation_lowered:
.L_overlay_start_0:
0x88: {  	s2 =	sld [smem:$0x3FD9]  }
0x89: {  	s3 =	sld [smem:$0x3FFE];
	_ =	sdelay $0x1  }
0x8a: {  	s1 =	srdreg.scid  }
0x8b: {  	s0 =	sand.u32 $0x1, s1  }
0x8c: {  	s17 =	sshll.u32 s0, $0xA;
	s2 =	sadd.s32 s3, s2  }
0x8d: {  	s2 =	sadd.s32 s2, s17  }
0x8e: {  	[smem:$0x3FC2] =	sst s2  }
0x8f: {  	_ = 	snop  }
0x90: {  	s2 =	sld [smem:$0x3FD0];
	(tm) =	ssettm $0x1  }
0x91: {  	s18 =	sld [smem:$0x3FFB];
	_ =	sdelay $0x3  }
0x92: {  	_ =	strace s18  }
0x93: {  	s3 =	sld [smem:$0x3FFC];
	_ =	sdelay $0x3  }
0x94: {  	_ =	strace s3  }
0x95: {  	s3 =	sld [smem:$0x3FFD];
	_ =	sdelay $0x3  }
0x96: {  	_ =	strace s3  }
0x97: {  	_ =	strace $0x8FFFFFFF  }
0x98: {  	s19 =	sld [smem:$0x3FDB];
	_ =	sdelay $0x1  }
0x99: {  	s4 =	simm.s32 $_scs_section_size  }
0x9a: {  	s5 =	simm.s32 $_size__tile_overlayer_lowered;
	s6 =	simm.s32 $_tile_overlayer_lowered  }
0x9b: {  	s22 =	simm.s32 $0x1BFF;
	s21 =	sshll.u32 s6, $0x1;
	s3 =	sadd.s32 s4, s19  }
0x9c: {  	s7 =	simm.s32 $0x0;
	s20 =	sshll.u32 s5, $0x1;
	s5 =	sadd.s32 s21, s3  }
0x9d: {  	[timem:s7], [sflag:s22] =	dma.local [hbm:s5], s20  }
0x9e: {  	_ =	swait.ge [sflag:s22], s20  }
0x9f: {  	s4 =	ssub.s32 $0x0, s20;
	[sflag:s22] =	ssyncset.done $0x0  }
0xa0: {  	[sflag:s22] =	ssyncadd.s32 s4;
	_ =	sdelay $0x1  }
0xa1: {  	s23 =	simm.s32 $0x1B8B  }
0xa2: {  	_ =	swait.ge [sflag:s23], $0x1  }
0xa3: {  	[sflag:s23] =	ssyncset.done $0x0  }
0xa4: {  	s25 =	simm.s32 $0x1B8E;
	s24 =	sld [smem:$0x3FFE];
	[sflag:s23] =	ssyncadd.s32 $0xFFFFFFFF  }
0xa5: {  	s26 =	simm.s32 $execute0_lowered;
	[smem:$0x3FD2] =	sst s25  }
0xa6: {  	s5 =	sshll.u32 s26, $0x1;
	_ =	strace $0x80000046;
	[dreg:$0x1] =	wrdreg $0xFFFFFFFF  }
0xa7: {  	s28 =	simm.s32 $_size_execute0_lowered;
	s3 =	sadd.s32 s3, s5;
	[dreg:$0x0] =	wrdreg $0x0  }
0xa8: {  	s5 =	sshll.u32 s28, $0x1;
	[dreg:$0x2] =	wrdreg s3  }
0xa9: {  	[dreg:$0x3] =	wrdreg s5  }
0xaa: {  	[dreg:$0x4] =	wrdreg $0xC0  }
0xab: {  	_ =	task [dreg:s7], $0x5FFFF  }
0xac: {  	[dreg:$0x1] =	wrdreg $0xFFFFFFFF  }
0xad: {  	[dreg:$0x0] =	wrdreg $0x60  }
0xae: {  	[dreg:$0x2] =	wrdreg s24  }
0xaf: {  	[dreg:$0x3] =	wrdreg s2  }
0xb0: {  	[dreg:$0x4] =	wrdreg $0x2C100  }
0xb1: {  	[dreg:$0x5] =	wrdreg $0x9  }
0xb2: {  	_ =	task.clear_ibuf [dreg:s7], $0x6FFFF;
	_ =	strace $0x90000046  }
0xb3: {  	s29 =	simm.s32 $0x9;
	_ =	strace $0x80000048  }
0xb4: {  	_ =	swait.ge [sflag:s29], $0x1  }
0xb5: {  	[sflag:s29] =	ssyncadd.s32 $0xFFFFFFFF  }
0xb6: {  	_ =	strace $0x90000048  }
0xb7: {  	_ =	sfence  }
0xb8: {  	s30 =	sld [smem:$0x0];
	_ =	sdelay $0x2  }
0xb9: {  	s31 =	sshll.u32 s1, $0xD;
	s1 =	sshrl.u32 s1, $0x2  }
0xba: {  	s3 =	sand.u32 $0x4000, s31;
	s1 =	sadd.s32 s1, s30  }
0xbb: {  	s0 =	sor.u32 s3, s0;
	s1 =	sshll.u32 s1, $0x11  }
0xbc: {  	s0 =	sor.u32 s1, s0  }
0xbd: {  	s0 =	sadd.s32 $0x8F2B, s0  }
0xbe: {  	[sflag:s0] =	ssyncadd.remote.s32 $0x1  }
0xbf: {  	_ =	sfence.sel $0xFFFF  }
0xc0: {  	[dreg:$0x0] =	wrdreg $0xFFFFFFFF;
	(pc) =	sbr.abs _section_cstart, $3  }
0xc1: {  	[dreg:$0x1] =	wrdreg $0xFFFFFFFF  }
0xc2: {  	_ =	task.clear_ibuf [dreg:s7], $0x2FFFF;
	_ =	strace $0x9FFFFFFF  }
0xc3: {  	(tm) =	ssettm $0x7FFFFFFF  }
tec
execute0_lowered:
.L_overlay_start_1:
0x0: {  	(tag) =	ssettag $0x1  }
0x1: {  	s5 =	rddreg [dreg:$0x0]  }
0x2: {  	s1 =	srdreg.scid;
	s6 =	rddreg [dreg:$0x1]  }
0x3: {  	s0 =	stileid.u32;
	s2 =	rddreg [dreg:$0x2];
	s3 =	simm.s32 $0x0  }
0x4: {  	s13 =	simm.s32 $0x50;
	s14 =	simm.s32 $0x0;
	s4 =	sand.u32 $0x1, s1  }
0x5: {  	s29 =	sshll.u32 s0, $0x1;
	s8 =	smul.u32 $0x2780, s0;
	[smem:$0x7FF] =	sst s3  }
0x6: {  	s31 =	sshll.u32 s0, $0x6;
	s1 =	sor.u32 s4, s29;
	s9 =	smul.u32 $0x27800, s4  }
0x7: {  	s10 =	ssub.s32 $0x2, s4;
	s4 =	sadd.s32 $0x15200, s5;
	s7 =	smul.u32 $0x4E2, s1  }
0x8: {  	s1 =	rddreg [dreg:$0x3];
	_ =	strace $0x80000047;
	s11 =	sshrl.u32 s10, $0x1  }
0x9: {  	s30 =	sshrl.u32 s8, $0x3;
	s12 =	sadd.s32 s8, s2;
	s9 =	sadd.s32 s8, s9  }
0xa: {  	s10 =	ssub.s32 s10, s11;
	s11 =	sor.u32 $0x1C01, s31;
	s12 =	sshrl.u32 s12, $0x3  }
0xb: {  	s7 =	sadd.s32 s7, s5;
	s9 =	sshrl.u32 s9, $0x3;
	s8 =	smax.u32 s10, $0x1  }
0xc: {  	s10 =	simm.s32 $0x1;
	s9 =	sadd.s32 s9, s5;
	s5 =	sadd.s32 s6, s30  }
0xd: {  	s6 =	sadd.s32 $0x1600, s7;
	s7 =	sadd.s32 $0x15400, s9;
	s9 =	simm.s32 $0x2710  }
.LBB2_1:
0xe: {  	[tilespmem:s9], [sflag:$0x1] =	stream.linear.gather [hbm4b:s4+s3], $0x500, $0x38;
	[tilespmem:$0x5390] =	vst v63  }
0xf: {  	_ =	swait.ge [sflag:s10], $0x500  }
0x10: {  	[sflag:s10] =	ssyncset.done $0x0  }
0x11: {  	[sflag:s10] =	ssyncadd.s32 $0xFFFFFB00  }
0x12: {  	[spmem:s12], [sflag:s11] =	dma.local [hbm:s5], $0x4F0  }
0x13: {  	_ =	swait.ge [sflag:s10], $0x4F0  }
0x14: {  	[sflag:s10] =	ssyncset.done $0x0  }
0x15: {  	[sflag:s10] =	ssyncadd.s32 $0xFFFFFB10  }
0x16: {  	[bflag:$0x0] =	sbarrier.arrive $0xFFFF  }
0x17: {  	[tilespmem:s3], [sflag:$0x1] =	stream.linear.gather [hbm4b:s6+s3], $0x2710, $0x38;
	[tilespmem:$0x5390] =	vst v63  }
0x18: {  	_ =	swait.ge [sflag:s10], $0x2710  }
0x19: {  	[sflag:s10] =	ssyncset.done $0x0  }
0x1a: {  	s15 =	simm.s32 $0x0;
	[sflag:s10] =	ssyncadd.s32 $0xFFFFD8F0  }
0x1b: {  	[spmem:s2] =	stream.indirect.scatter.add.f32 [tilespmem:s9], [sflag:$0x1], $0x10, s15, s13, $0xb8;
	[tilespmem:$0x5390] =	vst v63  }
0x1c: {  	_ =	swait.ge [sflag:s10], $0x500  }
0x1d: {  	s15 =	simm.s32 $0x140;
	[sflag:s10] =	ssyncset.done $0x0  }
.LBB2_2:
0x1e: {  	s16 =	sshra.s32 s15, $0x2;
	[sflag:s10] =	ssyncadd.s32 $0xFFFFFB00;
	p0 =	sne.s32 s15, $0x9B00  }
0x1f: {  	[spmem:s2] =	stream.indirect.scatter.add.f32 [tilespmem:s9], [sflag:$0x1], $0x10, s16, s13, $0xb8;
	[tilespmem:$0x5390] =	vst v63  }
.Ltmp0:
0x20: {  	_ = 	snop;
	(pc) =	sbr.rel @p0 .LBB2_2-.Ltmp0, $4  }
0x21: {  	_ = 	snop  }
0x22: {  	s15 =	sadd.s32 $0x140, s15  }
0x23: {  	_ =	swait.ge [sflag:s10], $0x500  }
0x24: {  	[sflag:s10] =	ssyncset.done $0x0  }
0x25: {  	s14 =	sadd.s32 $0x1, s14  }
0x26: {  	[sflag:s10] =	ssyncadd.s32 $0xFFFFFB00;
	p0 =	sne.s32 s14, s8  }
.Ltmp1:
0x27: {  	[bflag:$0x0] =	sbarrier.arrive $0xFFFF;
	(pc) =	sbr.rel @p0 .LBB2_1-.Ltmp1, $4  }
0x28: {  	[hbm:s7], [sflag:s11] =	dma.local [spmem:s12], $0x4F0  }
0x29: {  	_ =	swait.ge [sflag:s10], $0x4F0  }
0x2a: {  	[sflag:s10] =	ssyncset.done $0x0  }
0x2b: {  	[sflag:s10] =	ssyncadd.s32 $0xFFFFFB10  }
0x2c: {  	_ =	sfence.sel $0x180000  }
0x2d: {  	[bflag:$0x0] =	sbarrier.arrive $0xFFFF  }
0x2e: {  	p0 =	sne.s32 s0, $0x0;
	_ =	strace $0x90000047  }
0x2f: {  	s0 =	sadd.s32 @!p0 $0x100000, s1;
	[bflag:$0x2] =	sbarrier.arrive $0xFFFF  }
0x30: {  	[sflag:s0] =	ssyncadd.tile.s32 @!p0 $0x1;
	_ =	shalt  }
.Lfunc_end2:
_tile_overlayer_lowered:
.L_overlay_start_2:
0x31: {  	(tag) =	ssettag $0x2  }
0x32: {  	s0 =	rddreg [dreg:$0x0];
	s2 =	stileid.u32  }
0x33: {  	s1 =	rddreg [dreg:$0x1];
	p0 =	sne.s32 s2, $0x0  }
0x34: {  	s3 =	rddreg [dreg:$0x2];
	[bflag:$0x3] =	sbarrier.arrive $0xFFFF;
	s2 =	simm.s32 @!p0 $0x1C01  }
0x35: {  	[timem:s3], [sflag:s2] =	dma.local @!p0 [hbm:s0], s1  }
0x36: {  	s0 =	simm.s32 @!p0 $0x1  }
0x37: {  	_ =	swait.ge @!p0 [sflag:s0], s1  }
0x38: {  	s1 =	ssub.s32 @!p0 $0x0, s1;
	[sflag:s0] =	ssyncset.done @!p0 $0x0  }
0x39: {  	[sflag:s0] =	ssyncadd.s32 @!p0 s1  }
0x3a: {  	[bflag:$0x3] =	sbarrier.arrive $0xFFFF  }
0x3b: {  	_ =	shalt  }

</sc_bundles>
